<compile_context>
chip_gen: v7x
topology: tpu7x:2x2x1
jax: 0.10.2.dev20260603
libtpu: 0.0.44.dev20260713+nightly
codegen_flags: <defaults>
</compile_context>

<pallas_src>
import functools

import jax
import jax.numpy as jnp
from jax import lax
from jax.experimental import pallas as pl
from jax.experimental.pallas import tpu as pltpu
from jax.experimental.pallas import tpu_sc as plsc

_B = 4096
_D = 64
_K = 8192
_B2 = 2 * _B
_COMMIT = 0.25

_BB = 8192
_KB = 512

_NC = 2
_NS = 16
_NW = _NC * _NS
_BPW = _B2 // _NW
_CH = 128
_NCH = _BPW // _CH
_ZW = _K // _NS


_W = 128


def _sweep_body(x2_ref, xsq_ref, cbsq_ref, cb_ref, bv_ref, bg_ref):
    k = pl.program_id(1)

    mm2 = lax.dot_general(
        x2_ref[...], cb_ref[...], (((1,), (1,)), ((), ())),
        preferred_element_type=jnp.float32)
    dist = (xsq_ref[...] + cbsq_ref[...]) + mm2
    d0 = dist[:, 0 * _W:1 * _W]
    d1 = dist[:, 1 * _W:2 * _W]
    d2 = dist[:, 2 * _W:3 * _W]
    d3 = dist[:, 3 * _W:4 * _W]
    m01 = jnp.minimum(d0, d1)
    i01 = jnp.where(d1 < d0, 1 * _W, 0 * _W)
    m23 = jnp.minimum(d2, d3)
    i23 = jnp.where(d3 < d2, 3 * _W, 2 * _W)
    m = jnp.minimum(m01, m23)
    i = jnp.where(m23 < m01, i23, i01)
    lane = lax.broadcasted_iota(jnp.int32, (_BB, _W), 1)
    g = (i + k * _KB) + lane
    better = (m < bv_ref[...]) | (k == 0)
    bv_ref[...] = jnp.where(better, m, bv_ref[...])
    bg_ref[...] = jnp.where(better, g, bg_ref[...])


def _sweep_pallas(x2, xsq, cbsq2d, qcb):
    return pl.pallas_call(
        _sweep_body,
        grid=(_B2 // _BB, _K // _KB),
        in_specs=[
            pl.BlockSpec((_BB, _D), lambda b, k: (b, 0)),
            pl.BlockSpec((_BB, 1), lambda b, k: (b, 0)),
            pl.BlockSpec((1, _KB), lambda b, k: (0, k)),
            pl.BlockSpec((_KB, _D), lambda b, k: (k, 0)),
        ],
        out_specs=[pl.BlockSpec((_BB, _W), lambda b, k: (b, 0)),
                   pl.BlockSpec((_BB, _W), lambda b, k: (b, 0))],
        out_shape=[jax.ShapeDtypeStruct((_B2, _W), jnp.float32),
                   jax.ShapeDtypeStruct((_B2, _W), jnp.int32)],
    )(x2, xsq, cbsq2d, qcb)


def _finish_body(bv_ref, bg_ref, idx_ref):
    bv = bv_ref[...]
    rowmin = jnp.min(bv, axis=1, keepdims=True)
    cand = jnp.where(bv == rowmin, bg_ref[...], jnp.int32(2**31 - 1))
    idx_ref[...] = jnp.min(cand, axis=1, keepdims=True)


def _finish_pallas(bv, bg):
    return pl.pallas_call(
        _finish_body,
        grid=(_B2 // _BB,),
        in_specs=[
            pl.BlockSpec((_BB, _W), lambda b: (b, 0)),
            pl.BlockSpec((_BB, _W), lambda b: (b, 0)),
        ],
        out_specs=pl.BlockSpec((_BB, 1), lambda b: (b, 0)),
        out_shape=jax.ShapeDtypeStruct((_B2, 1), jnp.int32),
    )(bv, bg)


def _argmin_pallas(x2, xsq, cbsq2d, qcb):
    bv, bk = _sweep_pallas(x2, xsq, cbsq2d, qcb)
    return _finish_pallas(bv, bk)


def _sc_body(idx_hbm, cb_hbm, out_hbm, hist_hbm,
             idx_v, rows_v, ones_v, zeros_v, hist_sh, sem):
    c = lax.axis_index("c")
    s = lax.axis_index("s")
    wid = c * _NS + s

    pltpu.sync_copy(idx_hbm.at[pl.ds(wid * _NCH, _NCH)], idx_v)

    cps = [
        pltpu.async_copy(cb_hbm.at[idx_v.at[j]],
                         rows_v.at[pl.ds(j * _CH, _CH)], sem)
        for j in range(_NCH)
    ]

    for i in range(_CH // 16):
        ones_v[pl.ds(i * 16, 16)] = jnp.ones((16,), jnp.float32)
    for i in range(_ZW // 16):
        zeros_v[pl.ds(i * 16, 16)] = jnp.zeros((16,), jnp.float32)
    pltpu.sync_copy(zeros_v, hist_sh.at[pl.ds(s * _ZW, _ZW)])
    plsc.subcore_barrier()
    for j in range(_NCH):
        pltpu.sync_copy(ones_v, hist_sh.at[idx_v.at[j]], add=True)
    plsc.subcore_barrier()

    for cp in cps:
        cp.wait()
    pltpu.sync_copy(rows_v, out_hbm.at[pl.ds(wid * _BPW, _BPW)])

    @pl.when(s == 0)
    def _write_hist():
        pltpu.sync_copy(hist_sh, hist_hbm.at[c])


def _sc_gather_hist(idx2d, qcb):
    mesh = plsc.VectorSubcoreMesh(core_axis_name="c", subcore_axis_name="s")
    run = pl.kernel(
        _sc_body,
        out_type=(
            jax.ShapeDtypeStruct((_B2, _D), jnp.float32),
            jax.ShapeDtypeStruct((_NC, _K), jnp.float32),
        ),
        mesh=mesh,
        scratch_types=[
            pltpu.VMEM((_NCH, _CH), jnp.int32),
            pltpu.VMEM((_BPW, _D), jnp.float32),
            pltpu.VMEM((_CH,), jnp.float32),
            pltpu.VMEM((_ZW,), jnp.float32),
            pltpu.VMEM_SHARED((_K,), jnp.float32),
            pltpu.SemaphoreType.DMA,
        ],
        compiler_params=pltpu.CompilerParams(use_tc_tiling_on_sc=False),
    )
    return run(idx2d, qcb)


def _loss_body(scr_ref, rib_ref, qzs_ref, qzr_ref, hist_ref, out_ref):
    scr = scr_ref[...]
    rib = rib_ref[...]
    qzs = qzs_ref[...]
    qzr = qzr_ref[...]
    n = float(_B * _D)
    m1 = jnp.sum((scr - qzs) ** 2) / n
    m2 = jnp.sum((rib - qzr) ** 2) / n
    m3 = jnp.sum((qzr - scr) ** 2) / n
    m4 = jnp.sum((qzs - rib) ** 2) / n
    scr_loss = 2.0 * _COMMIT * m1
    forward = m2 + m1 + 0.5 * m3 + 0.5 * m4
    rib_loss = 2.0 * _COMMIT * m2 + _COMMIT * forward
    p0 = hist_ref[0:1, :] * (1.0 / _B)
    p1 = hist_ref[1:2, :] * (1.0 / _B)
    e0 = -jnp.sum(p0 * jnp.log(p0 + 1e-10))
    e1 = -jnp.sum(p1 * jnp.log(p1 + 1e-10))
    out_ref[0] = scr_loss
    out_ref[1] = rib_loss
    out_ref[2] = jnp.exp(e0)
    out_ref[3] = jnp.exp(e1)


def _loss_pallas(scr, rib, qzs, qzr, hist):
    return pl.pallas_call(
        _loss_body,
        out_shape=jax.ShapeDtypeStruct((4,), jnp.float32),
        out_specs=pl.BlockSpec(memory_space=pltpu.SMEM),
    )(scr, rib, qzs, qzr, hist)


def kernel(scRNA_semantic, ribo_semantic, flag, embedding, proj_w, proj_b):
    quant_codebook = embedding @ proj_w.T + proj_b
    cb_sq = jnp.sum(quant_codebook ** 2, axis=1)
    x = jnp.concatenate([scRNA_semantic, ribo_semantic], axis=0)
    xsq = jnp.sum(x ** 2, axis=1, keepdims=True)

    idx = _argmin_pallas(-2.0 * x, xsq, cb_sq.reshape(1, _K), quant_codebook)
    idx2d = idx.reshape(_B2 // _CH, _CH)

    qz, hist = _sc_gather_hist(idx2d, quant_codebook)
    qz_s = qz[:_B]
    qz_r = qz[_B:]

    out = _loss_pallas(scRNA_semantic, ribo_semantic, qz_s, qz_r, hist)

    scRNA_loss = out[0]
    ribo_loss = out[1]
    scRNA_perplexity = out[2]
    ribo_perplexity = out[3]
    return (qz_s, qz_r, scRNA_loss, ribo_loss,
            scRNA_perplexity, ribo_perplexity)

# --- scband reference (transcript-rebuilt; emitter-appended) ---
"""Pipeline reference for scband-cross-vq-ra-2937757630652 (READ-ONLY COPY).

The authoritative reference and input builder live on the scoring server;
editing this copy changes nothing except your own understanding.
"""

import jax, jax.numpy as jnp
import numpy as np

B = 4096
D = 64
K = 8192
COMMITMENT_COST = 0.25


def setup_inputs(seed: int = 0):
    key = jax.random.key(seed)
    k1, k2, k3, k4, k5 = jax.random.split(key, 5)
    scRNA_semantic = jax.random.normal(k1, (B, D), dtype=jnp.float32)
    ribo_semantic = jax.random.normal(k2, (B, D), dtype=jnp.float32)
    embedding = jax.random.normal(k3, (K, D), dtype=jnp.float32) * (D ** -0.5)
    bound = 1.0 / np.sqrt(D)
    proj_w = jax.random.uniform(k4, (D, D), dtype=jnp.float32, minval=-bound, maxval=bound)
    proj_b = jax.random.uniform(k5, (D,), dtype=jnp.float32, minval=-bound, maxval=bound)
    return {"scRNA_semantic": scRNA_semantic, "ribo_semantic": ribo_semantic, "flag": 0,
            "embedding": embedding, "proj_w": proj_w, "proj_b": proj_b}


def _mse(a, b):
    return jnp.mean((a - b) ** 2)


def reference(scRNA_semantic, ribo_semantic, flag, embedding, proj_w, proj_b):
    sg = jax.lax.stop_gradient
    scR_flat = sg(scRNA_semantic)
    scRibo_flat = sg(ribo_semantic)
    # embedding_proj (nn.Linear): x @ W^T + b applied to codebook rows
    quant_codebook = embedding @ proj_w.T + proj_b
    cb_sq = jnp.sum(quant_codebook ** 2, axis=1)
    scR_distances = (jnp.sum(scR_flat ** 2, axis=1, keepdims=True) + cb_sq
                     - 2.0 * scR_flat @ quant_codebook.T)
    scRibo_distances = (jnp.sum(scRibo_flat ** 2, axis=1, keepdims=True) + cb_sq
                        - 2.0 * scRibo_flat @ quant_codebook.T)
    scRNA_idx = jnp.argmin(scR_distances, axis=1)
    ribo_idx = jnp.argmin(scRibo_distances, axis=1)
    scRNA_encodings = jax.nn.one_hot(scRNA_idx, K, dtype=jnp.float32)
    ribo_encodings = jax.nn.one_hot(ribo_idx, K, dtype=jnp.float32)
    scRNA_quantized = scRNA_encodings @ quant_codebook
    ribo_quantized = ribo_encodings @ quant_codebook
    scRNA_e_latent_loss = _mse(scRNA_semantic, sg(scRNA_quantized))
    scRNA_loss = 2.0 * COMMITMENT_COST * scRNA_e_latent_loss
    ribo_scRNA_vq_forward_loss = (_mse(ribo_quantized, sg(ribo_semantic))
                                  + _mse(scRNA_quantized, sg(scRNA_semantic))
                                  + 0.5 * _mse(ribo_quantized, sg(scRNA_semantic))
                                  + 0.5 * _mse(scRNA_quantized, sg(ribo_semantic)))
    ribo_e_latent_loss = _mse(ribo_semantic, sg(ribo_quantized))
    ribo_loss = 2.0 * COMMITMENT_COST * ribo_e_latent_loss + COMMITMENT_COST * ribo_scRNA_vq_forward_loss
    # straight-through estimator
    scRNA_quantized_st = scRNA_semantic + sg(scRNA_quantized - scRNA_semantic)
    ribo_quantized_st = ribo_semantic + sg(ribo_quantized - ribo_semantic)
    scRNA_avg_probs = jnp.mean(scRNA_encodings, axis=0)
    scRNA_perplexity = jnp.exp(-jnp.sum(scRNA_avg_probs * jnp.log(scRNA_avg_probs + 1e-10)))
    ribo_avg_probs = jnp.mean(ribo_encodings, axis=0)
    ribo_perplexity = jnp.exp(-jnp.sum(ribo_avg_probs * jnp.log(ribo_avg_probs + 1e-10)))
    return (scRNA_quantized_st, ribo_quantized_st, scRNA_loss, ribo_loss,
            scRNA_perplexity, ribo_perplexity)

if __name__ == "__main__":
    import jax
    _d = setup_inputs()
    print(jax.jit(kernel)(*tuple(_d.values())))

</pallas_src>

<mosaic_0001>
#map = affine_map<(d0, d1) -> (0, 0)>
module attributes {stable_mosaic.version = 14 : i64} {
  func.func @_sc_body(%arg0: i32, %arg1: i32, %arg2: memref<64x128xi32, #tpu.memory_space<hbm>>, %arg3: memref<8192x64xf32, #tpu.memory_space<hbm>>, %arg4: memref<8192x64xf32, #tpu.memory_space<hbm>>, %arg5: memref<2x8192xf32, #tpu.memory_space<hbm>>, %arg6: memref<2x128xi32, #tpu.memory_space<vmem>>, %arg7: memref<256x64xf32, #tpu.memory_space<vmem>>, %arg8: memref<128xf32, #tpu.memory_space<vmem>>, %arg9: memref<512xf32, #tpu.memory_space<vmem>>, %arg10: memref<8192xf32, #tpu.memory_space<vmem_shared>>, %arg11: memref<!tpu.dma_semaphore, #tpu.memory_space<semaphore_mem>>) attributes {dimension_semantics = [#tpu.dimension_semantics<core_parallel>, #tpu.dimension_semantics<subcore_parallel>], iteration_bounds = array<i64: 2, 16>, scalar_prefetch = 0 : i64, scratch_operands = 6 : i64, tpu.core_type = #tpu.core_type<sc_vector_subcore>, window_params = [{transform_indices = #map}, {transform_indices = #map}, {transform_indices = #map}, {transform_indices = #map}]} {
    %mul3A = arith.constant 16 : i32
    %mul3A_0 = arith.muli %arg0, %mul3A : i32
    %add3A = arith.addi %mul3A_0, %arg1 : i32
    %mul3A_1 = arith.constant 2 : i32
    %mul3A_2 = arith.muli %add3A, %mul3A_1 : i32
    "tpu.region"() ({
      %run_scoped3A_287 = tpu.sem_alloc : memref<!tpu.dma_semaphore, #tpu.memory_space<semaphore_mem>>
      %dma_start3A_288 = arith.constant 0 : i32
      %dma_start3A_289 = tpu.memref_slice %arg2[%mul3A_2, %dma_start3A_288] : memref<64x128xi32, #tpu.memory_space<hbm>> -> memref<2x128xi32, #tpu.memory_space<hbm>>
      %dma_start3A_290 = arith.constant 0 : i32
      %dma_start3A_291 = tpu.memref_slice %arg2[%mul3A_2, %dma_start3A_290] : memref<64x128xi32, #tpu.memory_space<hbm>> -> memref<2x128xi32, #tpu.memory_space<hbm>>
      tpu.enqueue_dma source(%dma_start3A_291 : memref<2x128xi32, #tpu.memory_space<hbm>>) target(%arg6 : memref<2x128xi32, #tpu.memory_space<vmem>>) target_semaphore(%run_scoped3A_287 : memref<!tpu.dma_semaphore, #tpu.memory_space<semaphore_mem>>)
      %dma_wait3A_292 = arith.constant 0 : i32
      %dma_wait3A_293 = tpu.memref_slice %arg2[%mul3A_2, %dma_wait3A_292] : memref<64x128xi32, #tpu.memory_space<hbm>> -> memref<2x128xi32, #tpu.memory_space<hbm>>
      %dma_wait3A_294 = arith.constant 0 : i32
      %dma_wait3A_295 = tpu.memref_slice %arg2[%mul3A_2, %dma_wait3A_294] : memref<64x128xi32, #tpu.memory_space<hbm>> -> memref<2x128xi32, #tpu.memory_space<hbm>>
      tpu.wait_dma2 semaphore(%run_scoped3A_287 : memref<!tpu.dma_semaphore, #tpu.memory_space<semaphore_mem>>) src(%dma_wait3A_295 : memref<2x128xi32, #tpu.memory_space<hbm>>) dst(%arg6 : memref<2x128xi32, #tpu.memory_space<vmem>>)
      tpu.yield
    }) : () -> ()
    %dma_start3A = arith.constant 0 : i32
    %dma_start3A_3 = arith.constant 0 : i32
    %dma_start3A_4 = arith.constant 0 : i32
    %dma_start3A_5 = tpu.memref_slice %arg7[%dma_start3A_3, %dma_start3A_4] : memref<256x64xf32, #tpu.memory_space<vmem>> -> memref<128x64xf32, #tpu.memory_space<vmem>>
    %dma_start3A_6 = arith.constant 0 : i32
    %dma_start3A_7 = tpu.memref_slice %arg6[%dma_start3A, %dma_start3A_6] : memref<2x128xi32, #tpu.memory_space<vmem>> -> memref<1x128xi32, #tpu.memory_space<vmem>>
    %dma_start3A_8 = tpu.memref_squeeze %dma_start3A_7 : memref<1x128xi32, #tpu.memory_space<vmem>> -> memref<128xi32, #tpu.memory_space<vmem>>
    %dma_start3A_9 = arith.constant 0 : i32
    %dma_start3A_10 = arith.constant 0 : i32
    %dma_start3A_11 = tpu.memref_slice %arg3[%dma_start3A_9, %dma_start3A_10] : memref<8192x64xf32, #tpu.memory_space<hbm>> -> memref<8192x64xf32, #tpu.memory_space<hbm>>
    tpu.enqueue_indirect_dma source(%dma_start3A_11 : memref<8192x64xf32, #tpu.memory_space<hbm>>) target(%dma_start3A_5 : memref<128x64xf32, #tpu.memory_space<vmem>>) offsets(%dma_start3A_8 : memref<128xi32, #tpu.memory_space<vmem>>) semaphore(%arg11 : memref<!tpu.dma_semaphore, #tpu.memory_space<semaphore_mem>>)
    %dma_start3A_12 = arith.constant 1 : i32
    %dma_start3A_13 = arith.constant 128 : i32
    %dma_start3A_14 = arith.constant 0 : i32
    %dma_start3A_15 = tpu.memref_slice %arg7[%dma_start3A_13, %dma_start3A_14] : memref<256x64xf32, #tpu.memory_space<vmem>> -> memref<128x64xf32, #tpu.memory_space<vmem>>
    %dma_start3A_16 = arith.constant 0 : i32
    %dma_start3A_17 = tpu.memref_slice %arg6[%dma_start3A_12, %dma_start3A_16] : memref<2x128xi32, #tpu.memory_space<vmem>> -> memref<1x128xi32, #tpu.memory_space<vmem>>
    %dma_start3A_18 = tpu.memref_squeeze %dma_start3A_17 : memref<1x128xi32, #tpu.memory_space<vmem>> -> memref<128xi32, #tpu.memory_space<vmem>>
    %dma_start3A_19 = arith.constant 0 : i32
    %dma_start3A_20 = arith.constant 0 : i32
    %dma_start3A_21 = tpu.memref_slice %arg3[%dma_start3A_19, %dma_start3A_20] : memref<8192x64xf32, #tpu.memory_space<hbm>> -> memref<8192x64xf32, #tpu.memory_space<hbm>>
    tpu.enqueue_indirect_dma source(%dma_start3A_21 : memref<8192x64xf32, #tpu.memory_space<hbm>>) target(%dma_start3A_15 : memref<128x64xf32, #tpu.memory_space<vmem>>) offsets(%dma_start3A_18 : memref<128xi32, #tpu.memory_space<vmem>>) semaphore(%arg11 : memref<!tpu.dma_semaphore, #tpu.memory_space<semaphore_mem>>)
    %broadcast_in_dim3A = arith.constant 1.000000e+00 : f32
    %broadcast_in_dim3A_22 = vector.broadcast %broadcast_in_dim3A : f32 to vector<16xf32>
    %swap3A = arith.constant 0 : index
    %swap3A_23 = tpu.vector_load %arg8[%swap3A] {strides = array<i32>} : memref<128xf32, #tpu.memory_space<vmem>>, vector<16xf32>,
    %swap3A_24 = vector.shape_cast %swap3A_23 : vector<16xf32> to vector<16xf32>
    %swap3A_25 = vector.shape_cast %broadcast_in_dim3A_22 : vector<16xf32> to vector<16xf32>
    tpu.vector_store %arg8[%swap3A], %swap3A_25 {strides = array<i32>} : memref<128xf32, #tpu.memory_space<vmem>>, vector<16xf32>,
    %broadcast_in_dim3A_26 = arith.constant 1.000000e+00 : f32
    %broadcast_in_dim3A_27 = vector.broadcast %broadcast_in_dim3A_26 : f32 to vector<16xf32>
    %swap3A_28 = arith.constant 16 : index
    %swap3A_29 = tpu.vector_load %arg8[%swap3A_28] {strides = array<i32>} : memref<128xf32, #tpu.memory_space<vmem>>, vector<16xf32>,
    %swap3A_30 = vector.shape_cast %swap3A_29 : vector<16xf32> to vector<16xf32>
    %swap3A_31 = vector.shape_cast %broadcast_in_dim3A_27 : vector<16xf32> to vector<16xf32>
    tpu.vector_store %arg8[%swap3A_28], %swap3A_31 {strides = array<i32>} : memref<128xf32, #tpu.memory_space<vmem>>, vector<16xf32>,
    %broadcast_in_dim3A_32 = arith.constant 1.000000e+00 : f32
    %broadcast_in_dim3A_33 = vector.broadcast %broadcast_in_dim3A_32 : f32 to vector<16xf32>
    %swap3A_34 = arith.constant 32 : index
    %swap3A_35 = tpu.vector_load %arg8[%swap3A_34] {strides = array<i32>} : memref<128xf32, #tpu.memory_space<vmem>>, vector<16xf32>,
    %swap3A_36 = vector.shape_cast %swap3A_35 : vector<16xf32> to vector<16xf32>
    %swap3A_37 = vector.shape_cast %broadcast_in_dim3A_33 : vector<16xf32> to vector<16xf32>
    tpu.vector_store %arg8[%swap3A_34], %swap3A_37 {strides = array<i32>} : memref<128xf32, #tpu.memory_space<vmem>>, vector<16xf32>,
    %broadcast_in_dim3A_38 = arith.constant 1.000000e+00 : f32
    %broadcast_in_dim3A_39 = vector.broadcast %broadcast_in_dim3A_38 : f32 to vector<16xf32>
    %swap3A_40 = arith.constant 48 : index
    %swap3A_41 = tpu.vector_load %arg8[%swap3A_40] {strides = array<i32>} : memref<128xf32, #tpu.memory_space<vmem>>, vector<16xf32>,
    %swap3A_42 = vector.shape_cast %swap3A_41 : vector<16xf32> to vector<16xf32>
    %swap3A_43 = vector.shape_cast %broadcast_in_dim3A_39 : vector<16xf32> to vector<16xf32>
    tpu.vector_store %arg8[%swap3A_40], %swap3A_43 {strides = array<i32>} : memref<128xf32, #tpu.memory_space<vmem>>, vector<16xf32>,
    %broadcast_in_dim3A_44 = arith.constant 1.000000e+00 : f32
    %broadcast_in_dim3A_45 = vector.broadcast %broadcast_in_dim3A_44 : f32 to vector<16xf32>
    %swap3A_46 = arith.constant 64 : index
    %swap3A_47 = tpu.vector_load %arg8[%swap3A_46] {strides = array<i32>} : memref<128xf32, #tpu.memory_space<vmem>>, vector<16xf32>,
    %swap3A_48 = vector.shape_cast %swap3A_47 : vector<16xf32> to vector<16xf32>
    %swap3A_49 = vector.shape_cast %broadcast_in_dim3A_45 : vector<16xf32> to vector<16xf32>
    tpu.vector_store %arg8[%swap3A_46], %swap3A_49 {strides = array<i32>} : memref<128xf32, #tpu.memory_space<vmem>>, vector<16xf32>,
    %broadcast_in_dim3A_50 = arith.constant 1.000000e+00 : f32
    %broadcast_in_dim3A_51 = vector.broadcast %broadcast_in_dim3A_50 : f32 to vector<16xf32>
    %swap3A_52 = arith.constant 80 : index
    %swap3A_53 = tpu.vector_load %arg8[%swap3A_52] {strides = array<i32>} : memref<128xf32, #tpu.memory_space<vmem>>, vector<16xf32>,
    %swap3A_54 = vector.shape_cast %swap3A_53 : vector<16xf32> to vector<16xf32>
    %swap3A_55 = vector.shape_cast %broadcast_in_dim3A_51 : vector<16xf32> to vector<16xf32>
    tpu.vector_store %arg8[%swap3A_52], %swap3A_55 {strides = array<i32>} : memref<128xf32, #tpu.memory_space<vmem>>, vector<16xf32>,
    %broadcast_in_dim3A_56 = arith.constant 1.000000e+00 : f32
    %broadcast_in_dim3A_57 = vector.broadcast %broadcast_in_dim3A_56 : f32 to vector<16xf32>
    %swap3A_58 = arith.constant 96 : index
    %swap3A_59 = tpu.vector_load %arg8[%swap3A_58] {strides = array<i32>} : memref<128xf32, #tpu.memory_space<vmem>>, vector<16xf32>,
    %swap3A_60 = vector.shape_cast %swap3A_59 : vector<16xf32> to vector<16xf32>
    %swap3A_61 = vector.shape_cast %broadcast_in_dim3A_57 : vector<16xf32> to vector<16xf32>
    tpu.vector_store %arg8[%swap3A_58], %swap3A_61 {strides = array<i32>} : memref<128xf32, #tpu.memory_space<vmem>>, vector<16xf32>,
    %broadcast_in_dim3A_62 = arith.constant 1.000000e+00 : f32
    %broadcast_in_dim3A_63 = vector.broadcast %broadcast_in_dim3A_62 : f32 to vector<16xf32>
    %swap3A_64 = arith.constant 112 : index
    %swap3A_65 = tpu.vector_load %arg8[%swap3A_64] {strides = array<i32>} : memref<128xf32, #tpu.memory_space<vmem>>, vector<16xf32>,
    %swap3A_66 = vector.shape_cast %swap3A_65 : vector<16xf32> to vector<16xf32>
    %swap3A_67 = vector.shape_cast %broadcast_in_dim3A_63 : vector<16xf32> to vector<16xf32>
    tpu.vector_store %arg8[%swap3A_64], %swap3A_67 {strides = array<i32>} : memref<128xf32, #tpu.memory_space<vmem>>, vector<16xf32>,
    %broadcast_in_dim3A_68 = arith.constant 0.000000e+00 : f32
    %broadcast_in_dim3A_69 = vector.broadcast %broadcast_in_dim3A_68 : f32 to vector<16xf32>
    %swap3A_70 = arith.constant 0 : index
    %swap3A_71 = tpu.vector_load %arg9[%swap3A_70] {strides = array<i32>} : memref<512xf32, #tpu.memory_space<vmem>>, vector<16xf32>,
    %swap3A_72 = vector.shape_cast %swap3A_71 : vector<16xf32> to vector<16xf32>
    %swap3A_73 = vector.shape_cast %broadcast_in_dim3A_69 : vector<16xf32> to vector<16xf32>
    tpu.vector_store %arg9[%swap3A_70], %swap3A_73 {strides = array<i32>} : memref<512xf32, #tpu.memory_space<vmem>>, vector<16xf32>,
    %broadcast_in_dim3A_74 = arith.constant 0.000000e+00 : f32
    %broadcast_in_dim3A_75 = vector.broadcast %broadcast_in_dim3A_74 : f32 to vector<16xf32>
    %swap3A_76 = arith.constant 16 : index
    %swap3A_77 = tpu.vector_load %arg9[%swap3A_76] {strides = array<i32>} : memref<512xf32, #tpu.memory_space<vmem>>, vector<16xf32>,
    %swap3A_78 = vector.shape_cast %swap3A_77 : vector<16xf32> to vector<16xf32>
    %swap3A_79 = vector.shape_cast %broadcast_in_dim3A_75 : vector<16xf32> to vector<16xf32>
    tpu.vector_store %arg9[%swap3A_76], %swap3A_79 {strides = array<i32>} : memref<512xf32, #tpu.memory_space<vmem>>, vector<16xf32>,
    %broadcast_in_dim3A_80 = arith.constant 0.000000e+00 : f32
    %broadcast_in_dim3A_81 = vector.broadcast %broadcast_in_dim3A_80 : f32 to vector<16xf32>
    %swap3A_82 = arith.constant 32 : index
    %swap3A_83 = tpu.vector_load %arg9[%swap3A_82] {strides = array<i32>} : memref<512xf32, #tpu.memory_space<vmem>>, vector<16xf32>,
    %swap3A_84 = vector.shape_cast %swap3A_83 : vector<16xf32> to vector<16xf32>
    %swap3A_85 = vector.shape_cast %broadcast_in_dim3A_81 : vector<16xf32> to vector<16xf32>
    tpu.vector_store %arg9[%swap3A_82], %swap3A_85 {strides = array<i32>} : memref<512xf32, #tpu.memory_space<vmem>>, vector<16xf32>,
    %broadcast_in_dim3A_86 = arith.constant 0.000000e+00 : f32
    %broadcast_in_dim3A_87 = vector.broadcast %broadcast_in_dim3A_86 : f32 to vector<16xf32>
    %swap3A_88 = arith.constant 48 : index
    %swap3A_89 = tpu.vector_load %arg9[%swap3A_88] {strides = array<i32>} : memref<512xf32, #tpu.memory_space<vmem>>, vector<16xf32>,
    %swap3A_90 = vector.shape_cast %swap3A_89 : vector<16xf32> to vector<16xf32>
    %swap3A_91 = vector.shape_cast %broadcast_in_dim3A_87 : vector<16xf32> to vector<16xf32>
    tpu.vector_store %arg9[%swap3A_88], %swap3A_91 {strides = array<i32>} : memref<512xf32, #tpu.memory_space<vmem>>, vector<16xf32>,
    %broadcast_in_dim3A_92 = arith.constant 0.000000e+00 : f32
    %broadcast_in_dim3A_93 = vector.broadcast %broadcast_in_dim3A_92 : f32 to vector<16xf32>
    %swap3A_94 = arith.constant 64 : index
    %swap3A_95 = tpu.vector_load %arg9[%swap3A_94] {strides = array<i32>} : memref<512xf32, #tpu.memory_space<vmem>>, vector<16xf32>,
    %swap3A_96 = vector.shape_cast %swap3A_95 : vector<16xf32> to vector<16xf32>
    %swap3A_97 = vector.shape_cast %broadcast_in_dim3A_93 : vector<16xf32> to vector<16xf32>
    tpu.vector_store %arg9[%swap3A_94], %swap3A_97 {strides = array<i32>} : memref<512xf32, #tpu.memory_space<vmem>>, vector<16xf32>,
    %broadcast_in_dim3A_98 = arith.constant 0.000000e+00 : f32
    %broadcast_in_dim3A_99 = vector.broadcast %broadcast_in_dim3A_98 : f32 to vector<16xf32>
    %swap3A_100 = arith.constant 80 : index
    %swap3A_101 = tpu.vector_load %arg9[%swap3A_100] {strides = array<i32>} : memref<512xf32, #tpu.memory_space<vmem>>, vector<16xf32>,
    %swap3A_102 = vector.shape_cast %swap3A_101 : vector<16xf32> to vector<16xf32>
    %swap3A_103 = vector.shape_cast %broadcast_in_dim3A_99 : vector<16xf32> to vector<16xf32>
    tpu.vector_store %arg9[%swap3A_100], %swap3A_103 {strides = array<i32>} : memref<512xf32, #tpu.memory_space<vmem>>, vector<16xf32>,
    %broadcast_in_dim3A_104 = arith.constant 0.000000e+00 : f32
    %broadcast_in_dim3A_105 = vector.broadcast %broadcast_in_dim3A_104 : f32 to vector<16xf32>
    %swap3A_106 = arith.constant 96 : index
    %swap3A_107 = tpu.vector_load %arg9[%swap3A_106] {strides = array<i32>} : memref<512xf32, #tpu.memory_space<vmem>>, vector<16xf32>,
    %swap3A_108 = vector.shape_cast %swap3A_107 : vector<16xf32> to vector<16xf32>
    %swap3A_109 = vector.shape_cast %broadcast_in_dim3A_105 : vector<16xf32> to vector<16xf32>
    tpu.vector_store %arg9[%swap3A_106], %swap3A_109 {strides = array<i32>} : memref<512xf32, #tpu.memory_space<vmem>>, vector<16xf32>,
    %broadcast_in_dim3A_110 = arith.constant 0.000000e+00 : f32
    %broadcast_in_dim3A_111 = vector.broadcast %broadcast_in_dim3A_110 : f32 to vector<16xf32>
    %swap3A_112 = arith.constant 112 : index
    %swap3A_113 = tpu.vector_load %arg9[%swap3A_112] {strides = array<i32>} : memref<512xf32, #tpu.memory_space<vmem>>, vector<16xf32>,
    %swap3A_114 = vector.shape_cast %swap3A_113 : vector<16xf32> to vector<16xf32>
    %swap3A_115 = vector.shape_cast %broadcast_in_dim3A_111 : vector<16xf32> to vector<16xf32>
    tpu.vector_store %arg9[%swap3A_112], %swap3A_115 {strides = array<i32>} : memref<512xf32, #tpu.memory_space<vmem>>, vector<16xf32>,
    %broadcast_in_dim3A_116 = arith.constant 0.000000e+00 : f32
    %broadcast_in_dim3A_117 = vector.broadcast %broadcast_in_dim3A_116 : f32 to vector<16xf32>
    %swap3A_118 = arith.constant 128 : index
    %swap3A_119 = tpu.vector_load %arg9[%swap3A_118] {strides = array<i32>} : memref<512xf32, #tpu.memory_space<vmem>>, vector<16xf32>,
    %swap3A_120 = vector.shape_cast %swap3A_119 : vector<16xf32> to vector<16xf32>
    %swap3A_121 = vector.shape_cast %broadcast_in_dim3A_117 : vector<16xf32> to vector<16xf32>
    tpu.vector_store %arg9[%swap3A_118], %swap3A_121 {strides = array<i32>} : memref<512xf32, #tpu.memory_space<vmem>>, vector<16xf32>,
    %broadcast_in_dim3A_122 = arith.constant 0.000000e+00 : f32
    %broadcast_in_dim3A_123 = vector.broadcast %broadcast_in_dim3A_122 : f32 to vector<16xf32>
    %swap3A_124 = arith.constant 144 : index
    %swap3A_125 = tpu.vector_load %arg9[%swap3A_124] {strides = array<i32>} : memref<512xf32, #tpu.memory_space<vmem>>, vector<16xf32>,
    %swap3A_126 = vector.shape_cast %swap3A_125 : vector<16xf32> to vector<16xf32>
    %swap3A_127 = vector.shape_cast %broadcast_in_dim3A_123 : vector<16xf32> to vector<16xf32>
    tpu.vector_store %arg9[%swap3A_124], %swap3A_127 {strides = array<i32>} : memref<512xf32, #tpu.memory_space<vmem>>, vector<16xf32>,
    %broadcast_in_dim3A_128 = arith.constant 0.000000e+00 : f32
    %broadcast_in_dim3A_129 = vector.broadcast %broadcast_in_dim3A_128 : f32 to vector<16xf32>
    %swap3A_130 = arith.constant 160 : index
    %swap3A_131 = tpu.vector_load %arg9[%swap3A_130] {strides = array<i32>} : memref<512xf32, #tpu.memory_space<vmem>>, vector<16xf32>,
    %swap3A_132 = vector.shape_cast %swap3A_131 : vector<16xf32> to vector<16xf32>
    %swap3A_133 = vector.shape_cast %broadcast_in_dim3A_129 : vector<16xf32> to vector<16xf32>
    tpu.vector_store %arg9[%swap3A_130], %swap3A_133 {strides = array<i32>} : memref<512xf32, #tpu.memory_space<vmem>>, vector<16xf32>,
    %broadcast_in_dim3A_134 = arith.constant 0.000000e+00 : f32
    %broadcast_in_dim3A_135 = vector.broadcast %broadcast_in_dim3A_134 : f32 to vector<16xf32>
    %swap3A_136 = arith.constant 176 : index
    %swap3A_137 = tpu.vector_load %arg9[%swap3A_136] {strides = array<i32>} : memref<512xf32, #tpu.memory_space<vmem>>, vector<16xf32>,
    %swap3A_138 = vector.shape_cast %swap3A_137 : vector<16xf32> to vector<16xf32>
    %swap3A_139 = vector.shape_cast %broadcast_in_dim3A_135 : vector<16xf32> to vector<16xf32>
    tpu.vector_store %arg9[%swap3A_136], %swap3A_139 {strides = array<i32>} : memref<512xf32, #tpu.memory_space<vmem>>, vector<16xf32>,
    %broadcast_in_dim3A_140 = arith.constant 0.000000e+00 : f32
    %broadcast_in_dim3A_141 = vector.broadcast %broadcast_in_dim3A_140 : f32 to vector<16xf32>
    %swap3A_142 = arith.constant 192 : index
    %swap3A_143 = tpu.vector_load %arg9[%swap3A_142] {strides = array<i32>} : memref<512xf32, #tpu.memory_space<vmem>>, vector<16xf32>,
    %swap3A_144 = vector.shape_cast %swap3A_143 : vector<16xf32> to vector<16xf32>
    %swap3A_145 = vector.shape_cast %broadcast_in_dim3A_141 : vector<16xf32> to vector<16xf32>
    tpu.vector_store %arg9[%swap3A_142], %swap3A_145 {strides = array<i32>} : memref<512xf32, #tpu.memory_space<vmem>>, vector<16xf32>,
    %broadcast_in_dim3A_146 = arith.constant 0.000000e+00 : f32
    %broadcast_in_dim3A_147 = vector.broadcast %broadcast_in_dim3A_146 : f32 to vector<16xf32>
    %swap3A_148 = arith.constant 208 : index
    %swap3A_149 = tpu.vector_load %arg9[%swap3A_148] {strides = array<i32>} : memref<512xf32, #tpu.memory_space<vmem>>, vector<16xf32>,
    %swap3A_150 = vector.shape_cast %swap3A_149 : vector<16xf32> to vector<16xf32>
    %swap3A_151 = vector.shape_cast %broadcast_in_dim3A_147 : vector<16xf32> to vector<16xf32>
    tpu.vector_store %arg9[%swap3A_148], %swap3A_151 {strides = array<i32>} : memref<512xf32, #tpu.memory_space<vmem>>, vector<16xf32>,
    %broadcast_in_dim3A_152 = arith.constant 0.000000e+00 : f32
    %broadcast_in_dim3A_153 = vector.broadcast %broadcast_in_dim3A_152 : f32 to vector<16xf32>
    %swap3A_154 = arith.constant 224 : index
    %swap3A_155 = tpu.vector_load %arg9[%swap3A_154] {strides = array<i32>} : memref<512xf32, #tpu.memory_space<vmem>>, vector<16xf32>,
    %swap3A_156 = vector.shape_cast %swap3A_155 : vector<16xf32> to vector<16xf32>
    %swap3A_157 = vector.shape_cast %broadcast_in_dim3A_153 : vector<16xf32> to vector<16xf32>
    tpu.vector_store %arg9[%swap3A_154], %swap3A_157 {strides = array<i32>} : memref<512xf32, #tpu.memory_space<vmem>>, vector<16xf32>,
    %broadcast_in_dim3A_158 = arith.constant 0.000000e+00 : f32
    %broadcast_in_dim3A_159 = vector.broadcast %broadcast_in_dim3A_158 : f32 to vector<16xf32>
    %swap3A_160 = arith.constant 240 : index
    %swap3A_161 = tpu.vector_load %arg9[%swap3A_160] {strides = array<i32>} : memref<512xf32, #tpu.memory_space<vmem>>, vector<16xf32>,
    %swap3A_162 = vector.shape_cast %swap3A_161 : vector<16xf32> to vector<16xf32>
    %swap3A_163 = vector.shape_cast %broadcast_in_dim3A_159 : vector<16xf32> to vector<16xf32>
    tpu.vector_store %arg9[%swap3A_160], %swap3A_163 {strides = array<i32>} : memref<512xf32, #tpu.memory_space<vmem>>, vector<16xf32>,
    %broadcast_in_dim3A_164 = arith.constant 0.000000e+00 : f32
    %broadcast_in_dim3A_165 = vector.broadcast %broadcast_in_dim3A_164 : f32 to vector<16xf32>
    %swap3A_166 = arith.constant 256 : index
    %swap3A_167 = tpu.vector_load %arg9[%swap3A_166] {strides = array<i32>} : memref<512xf32, #tpu.memory_space<vmem>>, vector<16xf32>,
    %swap3A_168 = vector.shape_cast %swap3A_167 : vector<16xf32> to vector<16xf32>
    %swap3A_169 = vector.shape_cast %broadcast_in_dim3A_165 : vector<16xf32> to vector<16xf32>
    tpu.vector_store %arg9[%swap3A_166], %swap3A_169 {strides = array<i32>} : memref<512xf32, #tpu.memory_space<vmem>>, vector<16xf32>,
    %broadcast_in_dim3A_170 = arith.constant 0.000000e+00 : f32
    %broadcast_in_dim3A_171 = vector.broadcast %broadcast_in_dim3A_170 : f32 to vector<16xf32>
    %swap3A_172 = arith.constant 272 : index
    %swap3A_173 = tpu.vector_load %arg9[%swap3A_172] {strides = array<i32>} : memref<512xf32, #tpu.memory_space<vmem>>, vector<16xf32>,
    %swap3A_174 = vector.shape_cast %swap3A_173 : vector<16xf32> to vector<16xf32>
    %swap3A_175 = vector.shape_cast %broadcast_in_dim3A_171 : vector<16xf32> to vector<16xf32>
    tpu.vector_store %arg9[%swap3A_172], %swap3A_175 {strides = array<i32>} : memref<512xf32, #tpu.memory_space<vmem>>, vector<16xf32>,
    %broadcast_in_dim3A_176 = arith.constant 0.000000e+00 : f32
    %broadcast_in_dim3A_177 = vector.broadcast %broadcast_in_dim3A_176 : f32 to vector<16xf32>
    %swap3A_178 = arith.constant 288 : index
    %swap3A_179 = tpu.vector_load %arg9[%swap3A_178] {strides = array<i32>} : memref<512xf32, #tpu.memory_space<vmem>>, vector<16xf32>,
    %swap3A_180 = vector.shape_cast %swap3A_179 : vector<16xf32> to vector<16xf32>
    %swap3A_181 = vector.shape_cast %broadcast_in_dim3A_177 : vector<16xf32> to vector<16xf32>
    tpu.vector_store %arg9[%swap3A_178], %swap3A_181 {strides = array<i32>} : memref<512xf32, #tpu.memory_space<vmem>>, vector<16xf32>,
    %broadcast_in_dim3A_182 = arith.constant 0.000000e+00 : f32
    %broadcast_in_dim3A_183 = vector.broadcast %broadcast_in_dim3A_182 : f32 to vector<16xf32>
    %swap3A_184 = arith.constant 304 : index
    %swap3A_185 = tpu.vector_load %arg9[%swap3A_184] {strides = array<i32>} : memref<512xf32, #tpu.memory_space<vmem>>, vector<16xf32>,
    %swap3A_186 = vector.shape_cast %swap3A_185 : vector<16xf32> to vector<16xf32>
    %swap3A_187 = vector.shape_cast %broadcast_in_dim3A_183 : vector<16xf32> to vector<16xf32>
    tpu.vector_store %arg9[%swap3A_184], %swap3A_187 {strides = array<i32>} : memref<512xf32, #tpu.memory_space<vmem>>, vector<16xf32>,
    %broadcast_in_dim3A_188 = arith.constant 0.000000e+00 : f32
    %broadcast_in_dim3A_189 = vector.broadcast %broadcast_in_dim3A_188 : f32 to vector<16xf32>
    %swap3A_190 = arith.constant 320 : index
    %swap3A_191 = tpu.vector_load %arg9[%swap3A_190] {strides = array<i32>} : memref<512xf32, #tpu.memory_space<vmem>>, vector<16xf32>,
    %swap3A_192 = vector.shape_cast %swap3A_191 : vector<16xf32> to vector<16xf32>
    %swap3A_193 = vector.shape_cast %broadcast_in_dim3A_189 : vector<16xf32> to vector<16xf32>
    tpu.vector_store %arg9[%swap3A_190], %swap3A_193 {strides = array<i32>} : memref<512xf32, #tpu.memory_space<vmem>>, vector<16xf32>,
    %broadcast_in_dim3A_194 = arith.constant 0.000000e+00 : f32
    %broadcast_in_dim3A_195 = vector.broadcast %broadcast_in_dim3A_194 : f32 to vector<16xf32>
    %swap3A_196 = arith.constant 336 : index
    %swap3A_197 = tpu.vector_load %arg9[%swap3A_196] {strides = array<i32>} : memref<512xf32, #tpu.memory_space<vmem>>, vector<16xf32>,
    %swap3A_198 = vector.shape_cast %swap3A_197 : vector<16xf32> to vector<16xf32>
    %swap3A_199 = vector.shape_cast %broadcast_in_dim3A_195 : vector<16xf32> to vector<16xf32>
    tpu.vector_store %arg9[%swap3A_196], %swap3A_199 {strides = array<i32>} : memref<512xf32, #tpu.memory_space<vmem>>, vector<16xf32>,
    %broadcast_in_dim3A_200 = arith.constant 0.000000e+00 : f32
    %broadcast_in_dim3A_201 = vector.broadcast %broadcast_in_dim3A_200 : f32 to vector<16xf32>
    %swap3A_202 = arith.constant 352 : index
    %swap3A_203 = tpu.vector_load %arg9[%swap3A_202] {strides = array<i32>} : memref<512xf32, #tpu.memory_space<vmem>>, vector<16xf32>,
    %swap3A_204 = vector.shape_cast %swap3A_203 : vector<16xf32> to vector<16xf32>
    %swap3A_205 = vector.shape_cast %broadcast_in_dim3A_201 : vector<16xf32> to vector<16xf32>
    tpu.vector_store %arg9[%swap3A_202], %swap3A_205 {strides = array<i32>} : memref<512xf32, #tpu.memory_space<vmem>>, vector<16xf32>,
    %broadcast_in_dim3A_206 = arith.constant 0.000000e+00 : f32
    %broadcast_in_dim3A_207 = vector.broadcast %broadcast_in_dim3A_206 : f32 to vector<16xf32>
    %swap3A_208 = arith.constant 368 : index
    %swap3A_209 = tpu.vector_load %arg9[%swap3A_208] {strides = array<i32>} : memref<512xf32, #tpu.memory_space<vmem>>, vector<16xf32>,
    %swap3A_210 = vector.shape_cast %swap3A_209 : vector<16xf32> to vector<16xf32>
    %swap3A_211 = vector.shape_cast %broadcast_in_dim3A_207 : vector<16xf32> to vector<16xf32>
    tpu.vector_store %arg9[%swap3A_208], %swap3A_211 {strides = array<i32>} : memref<512xf32, #tpu.memory_space<vmem>>, vector<16xf32>,
    %broadcast_in_dim3A_212 = arith.constant 0.000000e+00 : f32
    %broadcast_in_dim3A_213 = vector.broadcast %broadcast_in_dim3A_212 : f32 to vector<16xf32>
    %swap3A_214 = arith.constant 384 : index
    %swap3A_215 = tpu.vector_load %arg9[%swap3A_214] {strides = array<i32>} : memref<512xf32, #tpu.memory_space<vmem>>, vector<16xf32>,
    %swap3A_216 = vector.shape_cast %swap3A_215 : vector<16xf32> to vector<16xf32>
    %swap3A_217 = vector.shape_cast %broadcast_in_dim3A_213 : vector<16xf32> to vector<16xf32>
    tpu.vector_store %arg9[%swap3A_214], %swap3A_217 {strides = array<i32>} : memref<512xf32, #tpu.memory_space<vmem>>, vector<16xf32>,
    %broadcast_in_dim3A_218 = arith.constant 0.000000e+00 : f32
    %broadcast_in_dim3A_219 = vector.broadcast %broadcast_in_dim3A_218 : f32 to vector<16xf32>
    %swap3A_220 = arith.constant 400 : index
    %swap3A_221 = tpu.vector_load %arg9[%swap3A_220] {strides = array<i32>} : memref<512xf32, #tpu.memory_space<vmem>>, vector<16xf32>,
    %swap3A_222 = vector.shape_cast %swap3A_221 : vector<16xf32> to vector<16xf32>
    %swap3A_223 = vector.shape_cast %broadcast_in_dim3A_219 : vector<16xf32> to vector<16xf32>
    tpu.vector_store %arg9[%swap3A_220], %swap3A_223 {strides = array<i32>} : memref<512xf32, #tpu.memory_space<vmem>>, vector<16xf32>,
    %broadcast_in_dim3A_224 = arith.constant 0.000000e+00 : f32
    %broadcast_in_dim3A_225 = vector.broadcast %broadcast_in_dim3A_224 : f32 to vector<16xf32>
    %swap3A_226 = arith.constant 416 : index
    %swap3A_227 = tpu.vector_load %arg9[%swap3A_226] {strides = array<i32>} : memref<512xf32, #tpu.memory_space<vmem>>, vector<16xf32>,
    %swap3A_228 = vector.shape_cast %swap3A_227 : vector<16xf32> to vector<16xf32>
    %swap3A_229 = vector.shape_cast %broadcast_in_dim3A_225 : vector<16xf32> to vector<16xf32>
    tpu.vector_store %arg9[%swap3A_226], %swap3A_229 {strides = array<i32>} : memref<512xf32, #tpu.memory_space<vmem>>, vector<16xf32>,
    %broadcast_in_dim3A_230 = arith.constant 0.000000e+00 : f32
    %broadcast_in_dim3A_231 = vector.broadcast %broadcast_in_dim3A_230 : f32 to vector<16xf32>
    %swap3A_232 = arith.constant 432 : index
    %swap3A_233 = tpu.vector_load %arg9[%swap3A_232] {strides = array<i32>} : memref<512xf32, #tpu.memory_space<vmem>>, vector<16xf32>,
    %swap3A_234 = vector.shape_cast %swap3A_233 : vector<16xf32> to vector<16xf32>
    %swap3A_235 = vector.shape_cast %broadcast_in_dim3A_231 : vector<16xf32> to vector<16xf32>
    tpu.vector_store %arg9[%swap3A_232], %swap3A_235 {strides = array<i32>} : memref<512xf32, #tpu.memory_space<vmem>>, vector<16xf32>,
    %broadcast_in_dim3A_236 = arith.constant 0.000000e+00 : f32
    %broadcast_in_dim3A_237 = vector.broadcast %broadcast_in_dim3A_236 : f32 to vector<16xf32>
    %swap3A_238 = arith.constant 448 : index
    %swap3A_239 = tpu.vector_load %arg9[%swap3A_238] {strides = array<i32>} : memref<512xf32, #tpu.memory_space<vmem>>, vector<16xf32>,
    %swap3A_240 = vector.shape_cast %swap3A_239 : vector<16xf32> to vector<16xf32>
    %swap3A_241 = vector.shape_cast %broadcast_in_dim3A_237 : vector<16xf32> to vector<16xf32>
    tpu.vector_store %arg9[%swap3A_238], %swap3A_241 {strides = array<i32>} : memref<512xf32, #tpu.memory_space<vmem>>, vector<16xf32>,
    %broadcast_in_dim3A_242 = arith.constant 0.000000e+00 : f32
    %broadcast_in_dim3A_243 = vector.broadcast %broadcast_in_dim3A_242 : f32 to vector<16xf32>
    %swap3A_244 = arith.constant 464 : index
    %swap3A_245 = tpu.vector_load %arg9[%swap3A_244] {strides = array<i32>} : memref<512xf32, #tpu.memory_space<vmem>>, vector<16xf32>,
    %swap3A_246 = vector.shape_cast %swap3A_245 : vector<16xf32> to vector<16xf32>
    %swap3A_247 = vector.shape_cast %broadcast_in_dim3A_243 : vector<16xf32> to vector<16xf32>
    tpu.vector_store %arg9[%swap3A_244], %swap3A_247 {strides = array<i32>} : memref<512xf32, #tpu.memory_space<vmem>>, vector<16xf32>,
    %broadcast_in_dim3A_248 = arith.constant 0.000000e+00 : f32
    %broadcast_in_dim3A_249 = vector.broadcast %broadcast_in_dim3A_248 : f32 to vector<16xf32>
    %swap3A_250 = arith.constant 480 : index
    %swap3A_251 = tpu.vector_load %arg9[%swap3A_250] {strides = array<i32>} : memref<512xf32, #tpu.memory_space<vmem>>, vector<16xf32>,
    %swap3A_252 = vector.shape_cast %swap3A_251 : vector<16xf32> to vector<16xf32>
    %swap3A_253 = vector.shape_cast %broadcast_in_dim3A_249 : vector<16xf32> to vector<16xf32>
    tpu.vector_store %arg9[%swap3A_250], %swap3A_253 {strides = array<i32>} : memref<512xf32, #tpu.memory_space<vmem>>, vector<16xf32>,
    %broadcast_in_dim3A_254 = arith.constant 0.000000e+00 : f32
    %broadcast_in_dim3A_255 = vector.broadcast %broadcast_in_dim3A_254 : f32 to vector<16xf32>
    %swap3A_256 = arith.constant 496 : index
    %swap3A_257 = tpu.vector_load %arg9[%swap3A_256] {strides = array<i32>} : memref<512xf32, #tpu.memory_space<vmem>>, vector<16xf32>,
    %swap3A_258 = vector.shape_cast %swap3A_257 : vector<16xf32> to vector<16xf32>
    %swap3A_259 = vector.shape_cast %broadcast_in_dim3A_255 : vector<16xf32> to vector<16xf32>
    tpu.vector_store %arg9[%swap3A_256], %swap3A_259 {strides = array<i32>} : memref<512xf32, #tpu.memory_space<vmem>>, vector<16xf32>,
    %mul3A_260 = arith.constant 512 : i32
    %mul3A_261 = arith.muli %arg1, %mul3A_260 : i32
    "tpu.region"() ({
      %run_scoped3A_287 = tpu.sem_alloc : memref<!tpu.dma_semaphore, #tpu.memory_space<semaphore_mem>>
      %dma_start3A_288 = tpu.memref_slice %arg10[%mul3A_261] : memref<8192xf32, #tpu.memory_space<vmem_shared>> -> memref<512xf32, #tpu.memory_space<vmem_shared>>
      %dma_start3A_289 = tpu.memref_slice %arg10[%mul3A_261] : memref<8192xf32, #tpu.memory_space<vmem_shared>> -> memref<512xf32, #tpu.memory_space<vmem_shared>>
      tpu.enqueue_dma source(%arg9 : memref<512xf32, #tpu.memory_space<vmem>>) target(%dma_start3A_289 : memref<512xf32, #tpu.memory_space<vmem_shared>>) target_semaphore(%run_scoped3A_287 : memref<!tpu.dma_semaphore, #tpu.memory_space<semaphore_mem>>)
      %dma_wait3A_290 = tpu.memref_slice %arg10[%mul3A_261] : memref<8192xf32, #tpu.memory_space<vmem_shared>> -> memref<512xf32, #tpu.memory_space<vmem_shared>>
      %dma_wait3A_291 = tpu.memref_slice %arg10[%mul3A_261] : memref<8192xf32, #tpu.memory_space<vmem_shared>> -> memref<512xf32, #tpu.memory_space<vmem_shared>>
      tpu.wait_dma2 semaphore(%run_scoped3A_287 : memref<!tpu.dma_semaphore, #tpu.memory_space<semaphore_mem>>) src(%arg9 : memref<512xf32, #tpu.memory_space<vmem>>) dst(%dma_wait3A_291 : memref<512xf32, #tpu.memory_space<vmem_shared>>)
      tpu.yield
    }) : () -> ()
    %barrier3A = arith.constant 0 : index
    tpu.barrier barrier_id(%barrier3A)
    %run_scoped3A = arith.constant 0 : i32
    "tpu.region"() ({
      %run_scoped3A_287 = tpu.sem_alloc : memref<!tpu.dma_semaphore, #tpu.memory_space<semaphore_mem>>
      %dma_start3A_288 = arith.constant 0 : i32
      %dma_start3A_289 = tpu.memref_slice %arg6[%run_scoped3A, %dma_start3A_288] : memref<2x128xi32, #tpu.memory_space<vmem>> -> memref<1x128xi32, #tpu.memory_space<vmem>>
      %dma_start3A_290 = tpu.memref_squeeze %dma_start3A_289 : memref<1x128xi32, #tpu.memory_space<vmem>> -> memref<128xi32, #tpu.memory_space<vmem>>
      %dma_start3A_291 = arith.constant 0 : i32
      %dma_start3A_292 = tpu.memref_slice %arg10[%dma_start3A_291] : memref<8192xf32, #tpu.memory_space<vmem_shared>> -> memref<8192xf32, #tpu.memory_space<vmem_shared>>
      tpu.enqueue_indirect_dma source(%arg8 : memref<128xf32, #tpu.memory_space<vmem>>) target(%dma_start3A_292 : memref<8192xf32, #tpu.memory_space<vmem_shared>>) offsets(%dma_start3A_290 : memref<128xi32, #tpu.memory_space<vmem>>) semaphore(%run_scoped3A_287 : memref<!tpu.dma_semaphore, #tpu.memory_space<semaphore_mem>>) {add = true}
      %dma_wait3A_293 = arith.constant 0 : i32
      %dma_wait3A_294 = tpu.memref_slice %arg6[%run_scoped3A, %dma_wait3A_293] : memref<2x128xi32, #tpu.memory_space<vmem>> -> memref<1x128xi32, #tpu.memory_space<vmem>>
      %dma_wait3A_295 = tpu.memref_squeeze %dma_wait3A_294 : memref<1x128xi32, #tpu.memory_space<vmem>> -> memref<128xi32, #tpu.memory_space<vmem>>
      %dma_wait3A_296 = arith.constant 0 : i32
      %dma_wait3A_297 = tpu.memref_slice %arg10[%dma_wait3A_296] : memref<8192xf32, #tpu.memory_space<vmem_shared>> -> memref<8192xf32, #tpu.memory_space<vmem_shared>>
      tpu.wait_indirect_dma semaphore(%run_scoped3A_287 : memref<!tpu.dma_semaphore, #tpu.memory_space<semaphore_mem>>) src(%arg8 : memref<128xf32, #tpu.memory_space<vmem>>) dst(%dma_wait3A_297 : memref<8192xf32, #tpu.memory_space<vmem_shared>>)
      tpu.yield
    }) : () -> ()
    %run_scoped3A_262 = arith.constant 1 : i32
    "tpu.region"() ({
      %run_scoped3A_287 = tpu.sem_alloc : memref<!tpu.dma_semaphore, #tpu.memory_space<semaphore_mem>>
      %dma_start3A_288 = arith.constant 0 : i32
      %dma_start3A_289 = tpu.memref_slice %arg6[%run_scoped3A_262, %dma_start3A_288] : memref<2x128xi32, #tpu.memory_space<vmem>> -> memref<1x128xi32, #tpu.memory_space<vmem>>
      %dma_start3A_290 = tpu.memref_squeeze %dma_start3A_289 : memref<1x128xi32, #tpu.memory_space<vmem>> -> memref<128xi32, #tpu.memory_space<vmem>>
      %dma_start3A_291 = arith.constant 0 : i32
      %dma_start3A_292 = tpu.memref_slice %arg10[%dma_start3A_291] : memref<8192xf32, #tpu.memory_space<vmem_shared>> -> memref<8192xf32, #tpu.memory_space<vmem_shared>>
      tpu.enqueue_indirect_dma source(%arg8 : memref<128xf32, #tpu.memory_space<vmem>>) target(%dma_start3A_292 : memref<8192xf32, #tpu.memory_space<vmem_shared>>) offsets(%dma_start3A_290 : memref<128xi32, #tpu.memory_space<vmem>>) semaphore(%run_scoped3A_287 : memref<!tpu.dma_semaphore, #tpu.memory_space<semaphore_mem>>) {add = true}
      %dma_wait3A_293 = arith.constant 0 : i32
      %dma_wait3A_294 = tpu.memref_slice %arg6[%run_scoped3A_262, %dma_wait3A_293] : memref<2x128xi32, #tpu.memory_space<vmem>> -> memref<1x128xi32, #tpu.memory_space<vmem>>
      %dma_wait3A_295 = tpu.memref_squeeze %dma_wait3A_294 : memref<1x128xi32, #tpu.memory_space<vmem>> -> memref<128xi32, #tpu.memory_space<vmem>>
      %dma_wait3A_296 = arith.constant 0 : i32
      %dma_wait3A_297 = tpu.memref_slice %arg10[%dma_wait3A_296] : memref<8192xf32, #tpu.memory_space<vmem_shared>> -> memref<8192xf32, #tpu.memory_space<vmem_shared>>
      tpu.wait_indirect_dma semaphore(%run_scoped3A_287 : memref<!tpu.dma_semaphore, #tpu.memory_space<semaphore_mem>>) src(%arg8 : memref<128xf32, #tpu.memory_space<vmem>>) dst(%dma_wait3A_297 : memref<8192xf32, #tpu.memory_space<vmem_shared>>)
      tpu.yield
    }) : () -> ()
    %barrier3A_263 = arith.constant 0 : index
    tpu.barrier barrier_id(%barrier3A_263)
    %dma_wait3A = arith.constant 0 : i32
    %dma_wait3A_264 = arith.constant 0 : i32
    %dma_wait3A_265 = arith.constant 0 : i32
    %dma_wait3A_266 = tpu.memref_slice %arg7[%dma_wait3A_264, %dma_wait3A_265] : memref<256x64xf32, #tpu.memory_space<vmem>> -> memref<128x64xf32, #tpu.memory_space<vmem>>
    %dma_wait3A_267 = arith.constant 0 : i32
    %dma_wait3A_268 = tpu.memref_slice %arg6[%dma_wait3A, %dma_wait3A_267] : memref<2x128xi32, #tpu.memory_space<vmem>> -> memref<1x128xi32, #tpu.memory_space<vmem>>
    %dma_wait3A_269 = tpu.memref_squeeze %dma_wait3A_268 : memref<1x128xi32, #tpu.memory_space<vmem>> -> memref<128xi32, #tpu.memory_space<vmem>>
    %dma_wait3A_270 = arith.constant 0 : i32
    %dma_wait3A_271 = arith.constant 0 : i32
    %dma_wait3A_272 = tpu.memref_slice %arg3[%dma_wait3A_270, %dma_wait3A_271] : memref<8192x64xf32, #tpu.memory_space<hbm>> -> memref<8192x64xf32, #tpu.memory_space<hbm>>
    tpu.wait_indirect_dma semaphore(%arg11 : memref<!tpu.dma_semaphore, #tpu.memory_space<semaphore_mem>>) src(%dma_wait3A_272 : memref<8192x64xf32, #tpu.memory_space<hbm>>) dst(%dma_wait3A_266 : memref<128x64xf32, #tpu.memory_space<vmem>>)
    %dma_wait3A_273 = arith.constant 1 : i32
    %dma_wait3A_274 = arith.constant 128 : i32
    %dma_wait3A_275 = arith.constant 0 : i32
    %dma_wait3A_276 = tpu.memref_slice %arg7[%dma_wait3A_274, %dma_wait3A_275] : memref<256x64xf32, #tpu.memory_space<vmem>> -> memref<128x64xf32, #tpu.memory_space<vmem>>
    %dma_wait3A_277 = arith.constant 0 : i32
    %dma_wait3A_278 = tpu.memref_slice %arg6[%dma_wait3A_273, %dma_wait3A_277] : memref<2x128xi32, #tpu.memory_space<vmem>> -> memref<1x128xi32, #tpu.memory_space<vmem>>
    %dma_wait3A_279 = tpu.memref_squeeze %dma_wait3A_278 : memref<1x128xi32, #tpu.memory_space<vmem>> -> memref<128xi32, #tpu.memory_space<vmem>>
    %dma_wait3A_280 = arith.constant 0 : i32
    %dma_wait3A_281 = arith.constant 0 : i32
    %dma_wait3A_282 = tpu.memref_slice %arg3[%dma_wait3A_280, %dma_wait3A_281] : memref<8192x64xf32, #tpu.memory_space<hbm>> -> memref<8192x64xf32, #tpu.memory_space<hbm>>
    tpu.wait_indirect_dma semaphore(%arg11 : memref<!tpu.dma_semaphore, #tpu.memory_space<semaphore_mem>>) src(%dma_wait3A_282 : memref<8192x64xf32, #tpu.memory_space<hbm>>) dst(%dma_wait3A_276 : memref<128x64xf32, #tpu.memory_space<vmem>>)
    %mul3A_283 = arith.constant 256 : i32
    %mul3A_284 = arith.muli %add3A, %mul3A_283 : i32
    "tpu.region"() ({
      %run_scoped3A_287 = tpu.sem_alloc : memref<!tpu.dma_semaphore, #tpu.memory_space<semaphore_mem>>
      %dma_start3A_288 = arith.constant 0 : i32
      %dma_start3A_289 = tpu.memref_slice %arg4[%mul3A_284, %dma_start3A_288] : memref<8192x64xf32, #tpu.memory_space<hbm>> -> memref<256x64xf32, #tpu.memory_space<hbm>>
      %dma_start3A_290 = arith.constant 0 : i32
      %dma_start3A_291 = tpu.memref_slice %arg4[%mul3A_284, %dma_start3A_290] : memref<8192x64xf32, #tpu.memory_space<hbm>> -> memref<256x64xf32, #tpu.memory_space<hbm>>
      tpu.enqueue_dma source(%arg7 : memref<256x64xf32, #tpu.memory_space<vmem>>) target(%dma_start3A_291 : memref<256x64xf32, #tpu.memory_space<hbm>>) target_semaphore(%run_scoped3A_287 : memref<!tpu.dma_semaphore, #tpu.memory_space<semaphore_mem>>)
      %dma_wait3A_292 = arith.constant 0 : i32
      %dma_wait3A_293 = tpu.memref_slice %arg4[%mul3A_284, %dma_wait3A_292] : memref<8192x64xf32, #tpu.memory_space<hbm>> -> memref<256x64xf32, #tpu.memory_space<hbm>>
      %dma_wait3A_294 = arith.constant 0 : i32
      %dma_wait3A_295 = tpu.memref_slice %arg4[%mul3A_284, %dma_wait3A_294] : memref<8192x64xf32, #tpu.memory_space<hbm>> -> memref<256x64xf32, #tpu.memory_space<hbm>>
      tpu.wait_dma2 semaphore(%run_scoped3A_287 : memref<!tpu.dma_semaphore, #tpu.memory_space<semaphore_mem>>) src(%arg7 : memref<256x64xf32, #tpu.memory_space<vmem>>) dst(%dma_wait3A_295 : memref<256x64xf32, #tpu.memory_space<hbm>>)
      tpu.yield
    }) : () -> ()
    %eq3A = arith.constant 0 : i32
    %eq3A_285 = arith.cmpi eq, %arg1, %eq3A : i32
    %convert_element_type3A = arith.extui %eq3A_285 : i1 to i32
    %cond3A = arith.constant 0 : i32
    %cond3A_286 = arith.cmpi ne, %convert_element_type3A, %cond3A : i32
    scf.if %cond3A_286 {
      "tpu.region"() ({
        %run_scoped3A_287 = tpu.sem_alloc : memref<!tpu.dma_semaphore, #tpu.memory_space<semaphore_mem>>
        %dma_start3A_288 = arith.constant 0 : i32
        %dma_start3A_289 = tpu.memref_slice %arg5[%arg0, %dma_start3A_288] : memref<2x8192xf32, #tpu.memory_space<hbm>> -> memref<1x8192xf32, #tpu.memory_space<hbm>>
        %dma_start3A_290 = tpu.memref_squeeze %dma_start3A_289 : memref<1x8192xf32, #tpu.memory_space<hbm>> -> memref<8192xf32, #tpu.memory_space<hbm>>
        tpu.enqueue_dma source(%arg10 : memref<8192xf32, #tpu.memory_space<vmem_shared>>) target(%dma_start3A_290 : memref<8192xf32, #tpu.memory_space<hbm>>) target_semaphore(%run_scoped3A_287 : memref<!tpu.dma_semaphore, #tpu.memory_space<semaphore_mem>>)
        %dma_wait3A_291 = arith.constant 0 : i32
        %dma_wait3A_292 = tpu.memref_slice %arg5[%arg0, %dma_wait3A_291] : memref<2x8192xf32, #tpu.memory_space<hbm>> -> memref<1x8192xf32, #tpu.memory_space<hbm>>
        %dma_wait3A_293 = tpu.memref_squeeze %dma_wait3A_292 : memref<1x8192xf32, #tpu.memory_space<hbm>> -> memref<8192xf32, #tpu.memory_space<hbm>>
        tpu.wait_dma2 semaphore(%run_scoped3A_287 : memref<!tpu.dma_semaphore, #tpu.memory_space<semaphore_mem>>) src(%arg10 : memref<8192xf32, #tpu.memory_space<vmem_shared>>) dst(%dma_wait3A_293 : memref<8192xf32, #tpu.memory_space<hbm>>)
        tpu.yield
      }) : () -> ()
    } else {
    }
    return
  }
}

module attributes {stable_mosaic.version = 14 : i64} {
  func.func @_sweep_body(%arg0: i32, %arg1: i32, %arg2: memref<8192x64xf32, #tpu.memory_space<vmem>>, %arg3: memref<8192x1xf32, #tpu.memory_space<vmem>>, %arg4: memref<1x512xf32, #tpu.memory_space<vmem>>, %arg5: memref<512x64xf32, #tpu.memory_space<vmem>>, %arg6: memref<8192x128xf32, #tpu.memory_space<vmem>>, %arg7: memref<8192x128xi32, #tpu.memory_space<vmem>>) attributes {dimension_semantics = [#tpu.dimension_semantics<arbitrary>, #tpu.dimension_semantics<arbitrary>], iteration_bounds = array<i64: 1, 16>, scalar_prefetch = 0 : i64, scratch_operands = 0 : i64, tpu.core_type = #tpu.core_type<tc>, window_params = [{transform_indices = @transform_0, window_bounds = array<i64: 8192, 64>}, {transform_indices = @transform_1, window_bounds = array<i64: 8192, 1>}, {transform_indices = @transform_2, window_bounds = array<i64: 1, 512>}, {transform_indices = @transform_3, window_bounds = array<i64: 512, 64>}, {transform_indices = @transform_4, window_bounds = array<i64: 8192, 128>}, {transform_indices = @transform_5, window_bounds = array<i64: 8192, 128>}]} {
    %get3A = arith.constant 0 : index
    %get3A_0 = arith.constant 0 : index
    %get3A_1 = vector.load %arg2[%get3A, %get3A_0] : memref<8192x64xf32, #tpu.memory_space<vmem>>, vector<8192x64xf32>
    %get3A_2 = arith.constant 0 : index
    %get3A_3 = arith.constant 0 : index
    %get3A_4 = vector.load %arg5[%get3A_2, %get3A_3] : memref<512x64xf32, #tpu.memory_space<vmem>>, vector<512x64xf32>
    %dot_general3A = arith.constant dense<0.000000e+00> : vector<8192x512xf32>
    %dot_general3A_5 = tpu.matmul %get3A_1, %get3A_4, %dot_general3A {dimension_numbers = #tpu.dot_dimension_numbers<[1], [1], [0], [0], [0, 0, 1, 0], [], []>, transpose_lhs_hint = false} : vector<8192x64xf32>, vector<512x64xf32>, vector<8192x512xf32> -> vector<8192x512xf32>
    %get3A_6 = arith.constant 0 : index
    %get3A_7 = arith.constant 0 : index
    %get3A_8 = vector.load %arg3[%get3A_6, %get3A_7] : memref<8192x1xf32, #tpu.memory_space<vmem>>, vector<8192x1xf32>
    %get3A_9 = arith.constant 0 : index
    %get3A_10 = arith.constant 0 : index
    %get3A_11 = vector.load %arg4[%get3A_9, %get3A_10] : memref<1x512xf32, #tpu.memory_space<vmem>>, vector<1x512xf32>
    %add3A = vector.broadcast %get3A_8 : vector<8192x1xf32> to vector<8192x512xf32>
    %add3A_12 = vector.broadcast %get3A_11 : vector<1x512xf32> to vector<8192x512xf32>
    %add3A_13 = arith.addf %add3A, %add3A_12 : vector<8192x512xf32>
    %add3A_14 = arith.addf %add3A_13, %dot_general3A_5 : vector<8192x512xf32>
    %slice3A = vector.extract_strided_slice %add3A_14 {offsets = [0, 0], sizes = [8192, 128], strides = [1, 1]} : vector<8192x512xf32> to vector<8192x128xf32>
    %slice3A_15 = vector.extract_strided_slice %add3A_14 {offsets = [0, 128], sizes = [8192, 128], strides = [1, 1]} : vector<8192x512xf32> to vector<8192x128xf32>
    %slice3A_16 = vector.extract_strided_slice %add3A_14 {offsets = [0, 256], sizes = [8192, 128], strides = [1, 1]} : vector<8192x512xf32> to vector<8192x128xf32>
    %slice3A_17 = vector.extract_strided_slice %add3A_14 {offsets = [0, 384], sizes = [8192, 128], strides = [1, 1]} : vector<8192x512xf32> to vector<8192x128xf32>
    %min3A = arith.minimumf %slice3A, %slice3A_15 : vector<8192x128xf32>
    %lt3A = arith.cmpf olt, %slice3A_15, %slice3A : vector<8192x128xf32>
    %jit3A = arith.constant 128 : i32
    %jit3A_18 = arith.constant 0 : i32
    %broadcast_in_dim3A = vector.broadcast %jit3A : i32 to vector<8192x128xi32>
    %broadcast_in_dim3A_19 = vector.broadcast %jit3A_18 : i32 to vector<8192x128xi32>
    %select_n3A = arith.select %lt3A, %broadcast_in_dim3A, %broadcast_in_dim3A_19 : vector<8192x128xi1>, vector<8192x128xi32>
    %min3A_20 = arith.minimumf %slice3A_16, %slice3A_17 : vector<8192x128xf32>
    %lt3A_21 = arith.cmpf olt, %slice3A_17, %slice3A_16 : vector<8192x128xf32>
    %jit3A_22 = arith.constant 384 : i32
    %jit3A_23 = arith.constant 256 : i32
    %broadcast_in_dim3A_24 = vector.broadcast %jit3A_22 : i32 to vector<8192x128xi32>
    %broadcast_in_dim3A_25 = vector.broadcast %jit3A_23 : i32 to vector<8192x128xi32>
    %select_n3A_26 = arith.select %lt3A_21, %broadcast_in_dim3A_24, %broadcast_in_dim3A_25 : vector<8192x128xi1>, vector<8192x128xi32>
    %min3A_27 = arith.minimumf %min3A, %min3A_20 : vector<8192x128xf32>
    %lt3A_28 = arith.cmpf olt, %min3A_20, %min3A : vector<8192x128xf32>
    %select_n3A_29 = arith.select %lt3A_28, %select_n3A_26, %select_n3A : vector<8192x128xi1>, vector<8192x128xi32>
    %iota3A = tpu.iota {dimensions = array<i32: 1>} : vector<8192x128xi32>
    %mul3A = arith.constant 512 : i32
    %mul3A_30 = arith.muli %arg1, %mul3A : i32
    %add3A_31 = vector.broadcast %mul3A_30 : i32 to vector<8192x128xi32>
    %add3A_32 = arith.addi %select_n3A_29, %add3A_31 : vector<8192x128xi32>
    %add3A_33 = arith.addi %add3A_32, %iota3A : vector<8192x128xi32>
    %get3A_34 = arith.constant 0 : index
    %get3A_35 = arith.constant 0 : index
    %get3A_36 = vector.load %arg6[%get3A_34, %get3A_35] : memref<8192x128xf32, #tpu.memory_space<vmem>>, vector<8192x128xf32>
    %lt3A_37 = arith.cmpf olt, %min3A_27, %get3A_36 : vector<8192x128xf32>
    %eq3A = arith.constant 0 : i32
    %eq3A_38 = arith.cmpi eq, %arg1, %eq3A : i32
    %or3A = vector.broadcast %eq3A_38 : i1 to vector<8192x128xi1>
    %or3A_39 = arith.ori %lt3A_37, %or3A : vector<8192x128xi1>
    %get3A_40 = arith.constant 0 : index
    %get3A_41 = arith.constant 0 : index
    %get3A_42 = vector.load %arg6[%get3A_40, %get3A_41] : memref<8192x128xf32, #tpu.memory_space<vmem>>, vector<8192x128xf32>
    %select_n3A_43 = arith.select %or3A_39, %min3A_27, %get3A_42 : vector<8192x128xi1>, vector<8192x128xf32>
    %swap3A = arith.constant 0 : index
    %swap3A_44 = arith.constant 0 : index
    %swap3A_45 = vector.load %arg6[%swap3A, %swap3A_44] : memref<8192x128xf32, #tpu.memory_space<vmem>>, vector<8192x128xf32>
    tpu.vector_store %arg6[%swap3A, %swap3A_44], %select_n3A_43 {strides = array<i32>} : memref<8192x128xf32, #tpu.memory_space<vmem>>, vector<8192x128xf32>,
    %get3A_46 = arith.constant 0 : index
    %get3A_47 = arith.constant 0 : index
    %get3A_48 = vector.load %arg7[%get3A_46, %get3A_47] : memref<8192x128xi32, #tpu.memory_space<vmem>>, vector<8192x128xi32>
    %select_n3A_49 = arith.select %or3A_39, %add3A_33, %get3A_48 : vector<8192x128xi1>, vector<8192x128xi32>
    %swap3A_50 = arith.constant 0 : index
    %swap3A_51 = arith.constant 0 : index
    %swap3A_52 = vector.load %arg7[%swap3A_50, %swap3A_51] : memref<8192x128xi32, #tpu.memory_space<vmem>>, vector<8192x128xi32>
    tpu.vector_store %arg7[%swap3A_50, %swap3A_51], %select_n3A_49 {strides = array<i32>} : memref<8192x128xi32, #tpu.memory_space<vmem>>, vector<8192x128xi32>,
    return
  }
  func.func @transform_0(%arg0: i32, %arg1: i32) -> (i32, i32) {
    %c0_i32 = arith.constant 0 : i32
    %c0_i32_0 = arith.constant 0 : i32
    return %arg0, %c0_i32 : i32, i32
  }
  func.func @transform_1(%arg0: i32, %arg1: i32) -> (i32, i32) {
    %c0_i32 = arith.constant 0 : i32
    %c0_i32_0 = arith.constant 0 : i32
    return %arg0, %c0_i32 : i32, i32
  }
  func.func @transform_2(%arg0: i32, %arg1: i32) -> (i32, i32) {
    %c0_i32 = arith.constant 0 : i32
    %c0_i32_0 = arith.constant 0 : i32
    return %c0_i32, %arg1 : i32, i32
  }
  func.func @transform_3(%arg0: i32, %arg1: i32) -> (i32, i32) {
    %c0_i32 = arith.constant 0 : i32
    %c0_i32_0 = arith.constant 0 : i32
    return %arg1, %c0_i32 : i32, i32
  }
  func.func @transform_4(%arg0: i32, %arg1: i32) -> (i32, i32) {
    %c0_i32 = arith.constant 0 : i32
    %c0_i32_0 = arith.constant 0 : i32
    return %arg0, %c0_i32 : i32, i32
  }
  func.func @transform_5(%arg0: i32, %arg1: i32) -> (i32, i32) {
    %c0_i32 = arith.constant 0 : i32
    %c0_i32_0 = arith.constant 0 : i32
    return %arg0, %c0_i32 : i32, i32
  }
}

module attributes {stable_mosaic.version = 14 : i64} {
  func.func @_finish_body(%arg0: i32, %arg1: memref<8192x128xf32, #tpu.memory_space<vmem>>, %arg2: memref<8192x128xi32, #tpu.memory_space<vmem>>, %arg3: memref<8192x1xi32, #tpu.memory_space<vmem>>) attributes {dimension_semantics = [#tpu.dimension_semantics<arbitrary>], iteration_bounds = array<i64: 1>, scalar_prefetch = 0 : i64, scratch_operands = 0 : i64, tpu.core_type = #tpu.core_type<tc>, window_params = [{transform_indices = @transform_0, window_bounds = array<i64: 8192, 128>}, {transform_indices = @transform_1, window_bounds = array<i64: 8192, 128>}, {transform_indices = @transform_2, window_bounds = array<i64: 8192, 1>}]} {
    %get3A = arith.constant 0 : index
    %get3A_0 = arith.constant 0 : index
    %get3A_1 = vector.load %arg1[%get3A, %get3A_0] : memref<8192x128xf32, #tpu.memory_space<vmem>>, vector<8192x128xf32>
    %reduce_min3A = arith.constant dense<0x7F800000> : vector<8192xf32>
    %reduce_min3A_2 = vector.multi_reduction <minimumf>, %get3A_1, %reduce_min3A [1] : vector<8192x128xf32> to vector<8192xf32>
    %broadcast_in_dim3A = vector.shape_cast %reduce_min3A_2 : vector<8192xf32> to vector<8192x1xf32>
    %eq3A = vector.broadcast %broadcast_in_dim3A : vector<8192x1xf32> to vector<8192x128xf32>
    %eq3A_3 = arith.cmpf oeq, %get3A_1, %eq3A : vector<8192x128xf32>
    %get3A_4 = arith.constant 0 : index
    %get3A_5 = arith.constant 0 : index
    %get3A_6 = vector.load %arg2[%get3A_4, %get3A_5] : memref<8192x128xi32, #tpu.memory_space<vmem>>, vector<8192x128xi32>
    %jit3A = arith.constant 2147483647 : i32
    %broadcast_in_dim3A_7 = vector.broadcast %jit3A : i32 to vector<8192x128xi32>
    %select_n3A = arith.select %eq3A_3, %get3A_6, %broadcast_in_dim3A_7 : vector<8192x128xi1>, vector<8192x128xi32>
    %reduce_min3A_8 = arith.constant dense<2147483647> : vector<8192xi32>
    %reduce_min3A_9 = vector.multi_reduction <minsi>, %select_n3A, %reduce_min3A_8 [1] : vector<8192x128xi32> to vector<8192xi32>
    %broadcast_in_dim3A_10 = vector.shape_cast %reduce_min3A_9 : vector<8192xi32> to vector<8192x1xi32>
    %swap3A = arith.constant 0 : index
    %swap3A_11 = arith.constant 0 : index
    %swap3A_12 = vector.load %arg3[%swap3A, %swap3A_11] : memref<8192x1xi32, #tpu.memory_space<vmem>>, vector<8192x1xi32>
    tpu.vector_store %arg3[%swap3A, %swap3A_11], %broadcast_in_dim3A_10 {strides = array<i32>} : memref<8192x1xi32, #tpu.memory_space<vmem>>, vector<8192x1xi32>,
    return
  }
  func.func @transform_0(%arg0: i32) -> (i32, i32) {
    %c0_i32 = arith.constant 0 : i32
    %c0_i32_0 = arith.constant 0 : i32
    return %arg0, %c0_i32 : i32, i32
  }
  func.func @transform_1(%arg0: i32) -> (i32, i32) {
    %c0_i32 = arith.constant 0 : i32
    %c0_i32_0 = arith.constant 0 : i32
    return %arg0, %c0_i32 : i32, i32
  }
  func.func @transform_2(%arg0: i32) -> (i32, i32) {
    %c0_i32 = arith.constant 0 : i32
    %c0_i32_0 = arith.constant 0 : i32
    return %arg0, %c0_i32 : i32, i32
  }
}

module attributes {stable_mosaic.version = 14 : i64} {
  func.func @_loss_body(%arg0: memref<4096x64xf32, #tpu.memory_space<vmem>>, %arg1: memref<4096x64xf32, #tpu.memory_space<vmem>>, %arg2: memref<4096x64xf32, #tpu.memory_space<vmem>>, %arg3: memref<4096x64xf32, #tpu.memory_space<vmem>>, %arg4: memref<2x8192xf32, #tpu.memory_space<vmem>>, %arg5: memref<4xf32, #tpu.memory_space<smem>>) attributes {dimension_semantics = [], scalar_prefetch = 0 : i64, scratch_operands = 0 : i64, tpu.core_type = #tpu.core_type<tc>} {
    %get3A = arith.constant 0 : index
    %get3A_0 = arith.constant 0 : index
    %get3A_1 = vector.load %arg0[%get3A, %get3A_0] : memref<4096x64xf32, #tpu.memory_space<vmem>>, vector<4096x64xf32>
    %get3A_2 = arith.constant 0 : index
    %get3A_3 = arith.constant 0 : index
    %get3A_4 = vector.load %arg1[%get3A_2, %get3A_3] : memref<4096x64xf32, #tpu.memory_space<vmem>>, vector<4096x64xf32>
    %get3A_5 = arith.constant 0 : index
    %get3A_6 = arith.constant 0 : index
    %get3A_7 = vector.load %arg2[%get3A_5, %get3A_6] : memref<4096x64xf32, #tpu.memory_space<vmem>>, vector<4096x64xf32>
    %get3A_8 = arith.constant 0 : index
    %get3A_9 = arith.constant 0 : index
    %get3A_10 = vector.load %arg3[%get3A_8, %get3A_9] : memref<4096x64xf32, #tpu.memory_space<vmem>>, vector<4096x64xf32>
    %sub3A = arith.subf %get3A_1, %get3A_7 : vector<4096x64xf32>
    %integer_pow3A = arith.mulf %sub3A, %sub3A : vector<4096x64xf32>
    %reduce_sum3A = vector.shape_cast %integer_pow3A : vector<4096x64xf32> to vector<1x4096x64xf32>
    %reduce_sum3A_11 = arith.constant dense<0.000000e+00> : vector<1xf32>
    %reduce_sum3A_12 = vector.multi_reduction <add>, %reduce_sum3A, %reduce_sum3A_11 [1, 2] : vector<1x4096x64xf32> to vector<1xf32>
    %reduce_sum3A_13 = vector.shape_cast %reduce_sum3A_12 : vector<1xf32> to vector<1x1x1xf32>
    %reduce_sum3A_14 = vector.extract %reduce_sum3A_13[0, 0, 0] : f32 from vector<1x1x1xf32>
    %div3A = arith.constant 2.621440e+05 : f32
    %div3A_15 = arith.divf %reduce_sum3A_14, %div3A : f32
    %sub3A_16 = arith.subf %get3A_4, %get3A_10 : vector<4096x64xf32>
    %integer_pow3A_17 = arith.mulf %sub3A_16, %sub3A_16 : vector<4096x64xf32>
    %reduce_sum3A_18 = vector.shape_cast %integer_pow3A_17 : vector<4096x64xf32> to vector<1x4096x64xf32>
    %reduce_sum3A_19 = arith.constant dense<0.000000e+00> : vector<1xf32>
    %reduce_sum3A_20 = vector.multi_reduction <add>, %reduce_sum3A_18, %reduce_sum3A_19 [1, 2] : vector<1x4096x64xf32> to vector<1xf32>
    %reduce_sum3A_21 = vector.shape_cast %reduce_sum3A_20 : vector<1xf32> to vector<1x1x1xf32>
    %reduce_sum3A_22 = vector.extract %reduce_sum3A_21[0, 0, 0] : f32 from vector<1x1x1xf32>
    %div3A_23 = arith.constant 2.621440e+05 : f32
    %div3A_24 = arith.divf %reduce_sum3A_22, %div3A_23 : f32
    %sub3A_25 = arith.subf %get3A_10, %get3A_1 : vector<4096x64xf32>
    %integer_pow3A_26 = arith.mulf %sub3A_25, %sub3A_25 : vector<4096x64xf32>
    %reduce_sum3A_27 = vector.shape_cast %integer_pow3A_26 : vector<4096x64xf32> to vector<1x4096x64xf32>
    %reduce_sum3A_28 = arith.constant dense<0.000000e+00> : vector<1xf32>
    %reduce_sum3A_29 = vector.multi_reduction <add>, %reduce_sum3A_27, %reduce_sum3A_28 [1, 2] : vector<1x4096x64xf32> to vector<1xf32>
    %reduce_sum3A_30 = vector.shape_cast %reduce_sum3A_29 : vector<1xf32> to vector<1x1x1xf32>
    %reduce_sum3A_31 = vector.extract %reduce_sum3A_30[0, 0, 0] : f32 from vector<1x1x1xf32>
    %div3A_32 = arith.constant 2.621440e+05 : f32
    %div3A_33 = arith.divf %reduce_sum3A_31, %div3A_32 : f32
    %sub3A_34 = arith.subf %get3A_7, %get3A_4 : vector<4096x64xf32>
    %integer_pow3A_35 = arith.mulf %sub3A_34, %sub3A_34 : vector<4096x64xf32>
    %reduce_sum3A_36 = vector.shape_cast %integer_pow3A_35 : vector<4096x64xf32> to vector<1x4096x64xf32>
    %reduce_sum3A_37 = arith.constant dense<0.000000e+00> : vector<1xf32>
    %reduce_sum3A_38 = vector.multi_reduction <add>, %reduce_sum3A_36, %reduce_sum3A_37 [1, 2] : vector<1x4096x64xf32> to vector<1xf32>
    %reduce_sum3A_39 = vector.shape_cast %reduce_sum3A_38 : vector<1xf32> to vector<1x1x1xf32>
    %reduce_sum3A_40 = vector.extract %reduce_sum3A_39[0, 0, 0] : f32 from vector<1x1x1xf32>
    %div3A_41 = arith.constant 2.621440e+05 : f32
    %div3A_42 = arith.divf %reduce_sum3A_40, %div3A_41 : f32
    %mul3A = arith.constant 5.000000e-01 : f32
    %mul3A_43 = arith.mulf %mul3A, %div3A_15 : f32
    %add3A = arith.addf %div3A_24, %div3A_15 : f32
    %mul3A_44 = arith.constant 5.000000e-01 : f32
    %mul3A_45 = arith.mulf %mul3A_44, %div3A_33 : f32
    %add3A_46 = arith.addf %add3A, %mul3A_45 : f32
    %mul3A_47 = arith.constant 5.000000e-01 : f32
    %mul3A_48 = arith.mulf %mul3A_47, %div3A_42 : f32
    %add3A_49 = arith.addf %add3A_46, %mul3A_48 : f32
    %mul3A_50 = arith.constant 5.000000e-01 : f32
    %mul3A_51 = arith.mulf %mul3A_50, %div3A_24 : f32
    %mul3A_52 = arith.constant 2.500000e-01 : f32
    %mul3A_53 = arith.mulf %mul3A_52, %add3A_49 : f32
    %add3A_54 = arith.addf %mul3A_51, %mul3A_53 : f32
    %get3A_55 = arith.constant 0 : index
    %get3A_56 = arith.constant 0 : index
    %get3A_57 = vector.load %arg4[%get3A_55, %get3A_56] : memref<2x8192xf32, #tpu.memory_space<vmem>>, vector<1x8192xf32>
    %mul3A_58 = arith.constant 2.44140625E-4 : f32
    %mul3A_59 = vector.broadcast %mul3A_58 : f32 to vector<1x8192xf32>
    %mul3A_60 = arith.mulf %get3A_57, %mul3A_59 : vector<1x8192xf32>
    %get3A_61 = arith.constant 1 : index
    %get3A_62 = arith.constant 0 : index
    %get3A_63 = vector.load %arg4[%get3A_61, %get3A_62] : memref<2x8192xf32, #tpu.memory_space<vmem>>, vector<1x8192xf32>
    %mul3A_64 = arith.constant 2.44140625E-4 : f32
    %mul3A_65 = vector.broadcast %mul3A_64 : f32 to vector<1x8192xf32>
    %mul3A_66 = arith.mulf %get3A_63, %mul3A_65 : vector<1x8192xf32>
    %add3A_67 = arith.constant 1.000000e-10 : f32
    %add3A_68 = vector.broadcast %add3A_67 : f32 to vector<1x8192xf32>
    %add3A_69 = arith.addf %mul3A_60, %add3A_68 : vector<1x8192xf32>
    %log3A = math.log %add3A_69 : vector<1x8192xf32>
    %mul3A_70 = arith.mulf %mul3A_60, %log3A : vector<1x8192xf32>
    %reduce_sum3A_71 = vector.shape_cast %mul3A_70 : vector<1x8192xf32> to vector<1x1x8192xf32>
    %reduce_sum3A_72 = arith.constant dense<0.000000e+00> : vector<1xf32>
    %reduce_sum3A_73 = vector.multi_reduction <add>, %reduce_sum3A_71, %reduce_sum3A_72 [1, 2] : vector<1x1x8192xf32> to vector<1xf32>
    %reduce_sum3A_74 = vector.shape_cast %reduce_sum3A_73 : vector<1xf32> to vector<1x1x1xf32>
    %reduce_sum3A_75 = vector.extract %reduce_sum3A_74[0, 0, 0] : f32 from vector<1x1x1xf32>
    %neg3A = arith.constant 0.000000e+00 : f32
    %neg3A_76 = arith.subf %neg3A, %reduce_sum3A_75 : f32
    %add3A_77 = arith.constant 1.000000e-10 : f32
    %add3A_78 = vector.broadcast %add3A_77 : f32 to vector<1x8192xf32>
    %add3A_79 = arith.addf %mul3A_66, %add3A_78 : vector<1x8192xf32>
    %log3A_80 = math.log %add3A_79 : vector<1x8192xf32>
    %mul3A_81 = arith.mulf %mul3A_66, %log3A_80 : vector<1x8192xf32>
    %reduce_sum3A_82 = vector.shape_cast %mul3A_81 : vector<1x8192xf32> to vector<1x1x8192xf32>
    %reduce_sum3A_83 = arith.constant dense<0.000000e+00> : vector<1xf32>
    %reduce_sum3A_84 = vector.multi_reduction <add>, %reduce_sum3A_82, %reduce_sum3A_83 [1, 2] : vector<1x1x8192xf32> to vector<1xf32>
    %reduce_sum3A_85 = vector.shape_cast %reduce_sum3A_84 : vector<1xf32> to vector<1x1x1xf32>
    %reduce_sum3A_86 = vector.extract %reduce_sum3A_85[0, 0, 0] : f32 from vector<1x1x1xf32>
    %neg3A_87 = arith.constant 0.000000e+00 : f32
    %neg3A_88 = arith.subf %neg3A_87, %reduce_sum3A_86 : f32
    %swap3A = arith.constant 0 : index
    %swap3A_89 = memref.load %arg5[%swap3A] : memref<4xf32, #tpu.memory_space<smem>>
    memref.store %mul3A_43, %arg5[%swap3A] : memref<4xf32, #tpu.memory_space<smem>>
    %swap3A_90 = arith.constant 1 : index
    %swap3A_91 = memref.load %arg5[%swap3A_90] : memref<4xf32, #tpu.memory_space<smem>>
    memref.store %add3A_54, %arg5[%swap3A_90] : memref<4xf32, #tpu.memory_space<smem>>
    %exp3A = math.exp %neg3A_76 : f32
    %swap3A_92 = arith.constant 2 : index
    %swap3A_93 = memref.load %arg5[%swap3A_92] : memref<4xf32, #tpu.memory_space<smem>>
    memref.store %exp3A, %arg5[%swap3A_92] : memref<4xf32, #tpu.memory_space<smem>>
    %exp3A_94 = math.exp %neg3A_88 : f32
    %swap3A_95 = arith.constant 3 : index
    %swap3A_96 = memref.load %arg5[%swap3A_95] : memref<4xf32, #tpu.memory_space<smem>>
    memref.store %exp3A_94, %arg5[%swap3A_95] : memref<4xf32, #tpu.memory_space<smem>>
    return
  }
}

</mosaic_0001>

<sc_bundles>
// kernel: kernel.6.cloned.1.call-start
scs
__scs_entry_jumppad:
0x0: {  	(pc) =	sbr.rel $0x88, $3  }
0x1: {  	(tag) =	ssettag $0x0;
	lr =	simm.s32 $0x1  }
0x2: {  	[smem:$0x3F9C] =	sst lr;
	_ =	strace $0xD0000000  }
0x3: {  	_ = 	snop  }
0x4: {  	_ = 	snop  }
0x5: {  	_ = 	snop  }
0x6: {  	_ = 	snop  }
0x7: {  	_ = 	snop  }
__scs_overlays_trampoline_lowered:
0x8: {  	[smem:$0x3FAB] =	sst s0  }
0x9: {  	[smem:$0x3FAC] =	sst s1  }
0xa: {  	[smem:$0x3FAD] =	sst s2  }
0xb: {  	[smem:$0x3FAE] =	sst s3  }
0xc: {  	[smem:$0x3FAF] =	sst s4  }
0xd: {  	[smem:$0x3FB0] =	sst s5  }
0xe: {  	[smem:$0x3FB1] =	sst s6  }
0xf: {  	[smem:$0x3FB2] =	sst s7  }
0x10: {  	[smem:$0x3FB3] =	sst s8  }
0x11: {  	[smem:$0x3FB4] =	sst s9;
	s0 =	simm.s32 @!p0 $0x0  }
0x12: {  	s1 =	sld [smem:$0x3F9A];
	s0 =	simm.s32 @p0 $0x1  }
0x13: {  	[smem:$0x3FB5] =	sst s0;
	s0 =	simm.s32 @!p1 $0x0  }
0x14: {  	s2 =	sld [smem:$0x3F99];
	s0 =	simm.s32 @p1 $0x1  }
0x15: {  	[smem:$0x3FB6] =	sst s0;
	s0 =	simm.s32 @!p2 $0x0  }
0x16: {  	s3 =	sld [smem:$0x3FDB];
	s0 =	simm.s32 @p2 $0x1  }
0x17: {  	s4 =	simm.s32 $0x1BF5;
	[smem:$0x3FB8] =	sst s0  }
0x18: {  	s0 =	sld [smem:$0x3F9B];
	_ =	swait.ge [sflag:s4], $0x0  }
0x19: {  	s7 =	sld [smem:$0x3F9C]  }
0x1a: {  	s8 =	sadd.s32 $0xFFFFE003, lr  }
0x1b: {  	s9 =	sadd.s32 $0xFFFFFEF7, lr;
	s5 =	simm.s32 $0xFFFFFFFF;
	p2 =	slt.u32 s8, $0xFFFFF086  }
0x1c: {  	p1 =	slt.u32 s9, $0xF7A;
	s5 =	simm.s32 @!p2 $0x0  }
0x1d: {  	s5 =	simm.s32 @p1 $0x1;
	p0 =	seq.s32 s7, s2  }
0x1e: {  	s7 =	smul.u32 @!p0 $0xF7A, s2;
	p2 =	seq.s32 @!p0 s5, $0x0  }
0x1f: {  	s9 =	smul.u32 $0xF7A, s1;
	s8 =	simm.s32 @!p0 $0x1BF5;
	p2 =	por !p2, p0  }
0x20: {  	[sflag:s8] =	ssyncset.s32 @!p0 $0xFFFFF086;
	s6 =	sadd.s32 @!p0 s3, s7;
	s7 =	simm.s32 @!p0 $0x108  }
0x21: {  	s3 =	sadd.s32 s3, s9;
	s6 =	sadd.s32 @!p0 $0x88, s6;
	s7 =	simm.s32 @p2 $0x1082  }
0x22: {  	[simem:s7], [sflag:s8] =	dma.local @!p0 [hbm:s6], $0xF7A  }
0x23: {  	s9 =	sor.u32 $0xD0000000, s2;
	s6 =	simm.s32 $0x108;
	_ =	swait.ge @!p0 [sflag:s8], $0x0  }
0x24: {  	s3 =	sadd.s32 $0x88, s3;
	s6 =	simm.s32 @!p1 $0x1082;
	[sflag:s4] =	ssyncset.s32 $0xFFFFF086  }
0x25: {  	[simem:s6], [sflag:s4] =	dma.local [hbm:s3], $0xF7A  }
0x26: {  	[smem:$0x3F9C] =	sst s1;
	(tag) =	ssettag s2;
	_ =	strace s9  }
0x27: {  	s1 =	sld [smem:$0x3FAC]  }
0x28: {  	s2 =	sld [smem:$0x3FAD]  }
0x29: {  	s4 =	sld [smem:$0x3FAF]  }
0x2a: {  	p0 =	seq.s32 s5, $0x0;
	s5 =	sld [smem:$0x3FB0]  }
0x2b: {  	s6 =	sld [smem:$0x3FB1]  }
0x2c: {  	s7 =	sld [smem:$0x3FB2]  }
0x2d: {  	s3 =	simm.s32 $0x108;
	s8 =	sld [smem:$0x3FB3]  }
0x2e: {  	s3 =	simm.s32 @!p0 $0x1082;
	s9 =	sld [smem:$0x3FB4]  }
0x2f: {  	lr =	sadd.s32 s0, s3;
	s0 =	sld [smem:$0x3FAB]  }
0x30: {  	s3 =	sld [smem:$0x3FAE]  }
0x31: {  	[smem:$0x3FB7] =	sst s10  }
0x32: {  	s10 =	sld [smem:$0x3FB5];
	_ =	sdelay $0x3  }
0x33: {  	p0 =	seq.s32 s10, $0x1;
	s10 =	sld [smem:$0x3FB7];
	_ =	sdelay $0x3  }
0x34: {  	[smem:$0x3FB7] =	sst s10  }
0x35: {  	s10 =	sld [smem:$0x3FB6];
	_ =	sdelay $0x3  }
0x36: {  	p1 =	seq.s32 s10, $0x1;
	s10 =	sld [smem:$0x3FB7];
	_ =	sdelay $0x3  }
0x37: {  	[smem:$0x3FB7] =	sst s10  }
0x38: {  	s10 =	sld [smem:$0x3FB8]  }
0x39: {  	_ = 	snop;
	(pc) =	sbr.ind lr, $3  }
0x3a: {  	_ = 	snop  }
0x3b: {  	_ = 	snop  }
0x3c: {  	p2 =	seq.s32 s10, $0x1;
	s10 =	sld [smem:$0x3FB7]  }
0x3d: {  	_ =	shalt  }
0x3e: {  	_ =	shalt  }
0x3f: {  	_ =	shalt  }
0x40: {  	_ =	shalt  }
0x41: {  	_ =	shalt  }
0x42: {  	_ =	shalt  }
0x43: {  	_ =	shalt  }
0x44: {  	_ =	shalt  }
0x45: {  	_ =	shalt  }
0x46: {  	_ =	shalt  }
0x47: {  	_ =	shalt  }
0x48: {  	_ =	shalt  }
0x49: {  	_ =	shalt  }
0x4a: {  	_ =	shalt  }
0x4b: {  	_ =	shalt  }
0x4c: {  	_ =	shalt  }
0x4d: {  	_ =	shalt  }
0x4e: {  	_ =	shalt  }
0x4f: {  	_ =	shalt  }
0x50: {  	_ =	shalt  }
0x51: {  	_ =	shalt  }
0x52: {  	_ =	shalt  }
0x53: {  	_ =	shalt  }
0x54: {  	_ =	shalt  }
0x55: {  	_ =	shalt  }
0x56: {  	_ =	shalt  }
0x57: {  	_ =	shalt  }
0x58: {  	_ =	shalt  }
0x59: {  	_ =	shalt  }
0x5a: {  	_ =	shalt  }
0x5b: {  	_ =	shalt  }
0x5c: {  	_ =	shalt  }
0x5d: {  	_ =	shalt  }
0x5e: {  	_ =	shalt  }
0x5f: {  	_ =	shalt  }
0x60: {  	_ =	shalt  }
0x61: {  	_ =	shalt  }
0x62: {  	_ =	shalt  }
0x63: {  	_ =	shalt  }
0x64: {  	_ =	shalt  }
0x65: {  	_ =	shalt  }
0x66: {  	_ =	shalt  }
0x67: {  	_ =	shalt  }
0x68: {  	_ =	shalt  }
0x69: {  	_ =	shalt  }
0x6a: {  	_ =	shalt  }
0x6b: {  	_ =	shalt  }
0x6c: {  	_ =	shalt  }
0x6d: {  	_ =	shalt  }
0x6e: {  	_ =	shalt  }
0x6f: {  	_ =	shalt  }
0x70: {  	_ =	shalt  }
0x71: {  	_ =	shalt  }
0x72: {  	_ =	shalt  }
0x73: {  	_ =	shalt  }
0x74: {  	_ =	shalt  }
0x75: {  	_ =	shalt  }
0x76: {  	_ =	shalt  }
0x77: {  	_ =	shalt  }
0x78: {  	_ =	shalt  }
0x79: {  	_ =	shalt  }
0x7a: {  	_ =	shalt  }
0x7b: {  	_ =	shalt  }
0x7c: {  	_ =	shalt  }
0x7d: {  	_ =	shalt  }
0x7e: {  	_ =	shalt  }
0x7f: {  	_ =	shalt  }
0x80: {  	_ =	shalt  }
0x81: {  	_ =	shalt  }
0x82: {  	_ =	shalt  }
0x83: {  	_ =	shalt  }
0x84: {  	_ =	shalt  }
0x85: {  	_ =	shalt  }
0x86: {  	_ =	shalt  }
0x87: {  	_ =	shalt  }
.Lfunc_end0:
.L_simem_size_0:
called_computation_lowered:
.L_overlay_start_0:
0x88: {  	s2 =	sld [smem:$0x3FD9]  }
0x89: {  	s3 =	sld [smem:$0x3FFE];
	_ =	sdelay $0x1  }
0x8a: {  	s1 =	srdreg.scid  }
0x8b: {  	s0 =	sand.u32 $0x1, s1  }
0x8c: {  	s14 =	sshll.u32 s0, $0xA;
	s2 =	sadd.s32 s3, s2  }
0x8d: {  	s2 =	sadd.s32 s2, s14  }
0x8e: {  	[smem:$0x3FC3] =	sst s2  }
0x8f: {  	_ = 	snop  }
0x90: {  	s2 =	sld [smem:$0x3FD0];
	_ =	sdelay $0x2  }
0x91: {  	s15 =	simm.s32 $0xA;
	s4 =	simm.s32 $0x10  }
0x92: {  	[smem:s4], [sflag:s15] =	dma.local [hbm:s2], $0x1  }
0x93: {  	_ =	swait.eq [sflag:s15], $0x1  }
0x94: {  	[sflag:s15] =	ssyncset.done $0x0  }
0x95: {  	s16 =	sld [smem:$0x10];
	[sflag:s15] =	ssyncadd.s32 $0xFFFFFFFF  }
0x96: {  	s17 =	sld [smem:$0x11];
	(tm) =	ssettm $0x1  }
0x97: {  	s18 =	sld [smem:$0x3FFB];
	_ =	sdelay $0x3  }
0x98: {  	_ =	strace s18  }
0x99: {  	s4 =	sld [smem:$0x3FFC];
	_ =	sdelay $0x3  }
0x9a: {  	_ =	strace s4  }
0x9b: {  	s4 =	sld [smem:$0x3FFD];
	_ =	sdelay $0x3  }
0x9c: {  	_ =	strace s4  }
0x9d: {  	_ =	strace $0x8FFFFFFF  }
0x9e: {  	s19 =	sld [smem:$0x3FDB];
	_ =	sdelay $0x1  }
0x9f: {  	s5 =	simm.s32 $_scs_section_size  }
0xa0: {  	s6 =	simm.s32 $_size__tile_overlayer_lowered;
	s7 =	simm.s32 $_tile_overlayer_lowered  }
0xa1: {  	s22 =	simm.s32 $0x1BFF;
	s21 =	sshll.u32 s7, $0x1;
	s4 =	sadd.s32 s5, s19  }
0xa2: {  	s8 =	simm.s32 $0x0;
	s20 =	sshll.u32 s6, $0x1;
	s6 =	sadd.s32 s21, s4  }
0xa3: {  	[timem:s8], [sflag:s22] =	dma.local [hbm:s6], s20  }
0xa4: {  	_ =	swait.ge [sflag:s22], s20  }
0xa5: {  	s5 =	ssub.s32 $0x0, s20;
	[sflag:s22] =	ssyncset.done $0x0  }
0xa6: {  	[sflag:s22] =	ssyncadd.s32 s5;
	_ =	sdelay $0x1  }
0xa7: {  	s23 =	simm.s32 $0x1B8B  }
0xa8: {  	_ =	swait.ge [sflag:s23], $0x1  }
0xa9: {  	[sflag:s23] =	ssyncset.done $0x0  }
0xaa: {  	s25 =	simm.s32 $0x1B8E;
	s24 =	sld [smem:$0x3FFE];
	[sflag:s23] =	ssyncadd.s32 $0xFFFFFFFF  }
0xab: {  	s26 =	simm.s32 $execute0_lowered;
	[smem:$0x3FD2] =	sst s25  }
0xac: {  	s6 =	sshll.u32 s26, $0x1;
	_ =	strace $0x80000046;
	[dreg:$0x1] =	wrdreg $0xFFFFFFFF  }
0xad: {  	s28 =	simm.s32 $_size_execute0_lowered;
	s4 =	sadd.s32 s4, s6;
	[dreg:$0x0] =	wrdreg $0x0  }
0xae: {  	s6 =	sshll.u32 s28, $0x1;
	[dreg:$0x2] =	wrdreg s4  }
0xaf: {  	[dreg:$0x3] =	wrdreg s6  }
0xb0: {  	[dreg:$0x4] =	wrdreg $0xC0  }
0xb1: {  	_ =	task [dreg:s8], $0x5FFFF  }
0xb2: {  	[dreg:$0x1] =	wrdreg $0xFFFFFFFF  }
0xb3: {  	[dreg:$0x0] =	wrdreg $0x60  }
0xb4: {  	[dreg:$0x2] =	wrdreg s16  }
0xb5: {  	[dreg:$0x3] =	wrdreg s24  }
0xb6: {  	[dreg:$0x4] =	wrdreg s17  }
0xb7: {  	[dreg:$0x5] =	wrdreg $0x43800  }
0xb8: {  	[dreg:$0x6] =	wrdreg $0x9  }
0xb9: {  	_ =	task.clear_ibuf [dreg:s8], $0x7FFFF;
	_ =	strace $0x90000046  }
0xba: {  	s29 =	simm.s32 $0x9;
	_ =	strace $0x80000048  }
0xbb: {  	_ =	swait.ge [sflag:s29], $0x1  }
0xbc: {  	[sflag:s29] =	ssyncadd.s32 $0xFFFFFFFF  }
0xbd: {  	_ =	strace $0x90000048  }
0xbe: {  	_ =	sfence  }
0xbf: {  	s30 =	sld [smem:$0x0];
	_ =	sdelay $0x2  }
0xc0: {  	s31 =	sshll.u32 s1, $0xD;
	s1 =	sshrl.u32 s1, $0x2  }
0xc1: {  	s3 =	sand.u32 $0x4000, s31;
	s1 =	sadd.s32 s1, s30  }
0xc2: {  	s0 =	sor.u32 s3, s0;
	s1 =	sshll.u32 s1, $0x11  }
0xc3: {  	s0 =	sor.u32 s1, s0  }
0xc4: {  	s0 =	sadd.s32 $0x8F2B, s0  }
0xc5: {  	[sflag:s0] =	ssyncadd.remote.s32 $0x1  }
0xc6: {  	_ =	sfence.sel $0xFFFF  }
0xc7: {  	[dreg:$0x0] =	wrdreg $0xFFFFFFFF;
	(pc) =	sbr.abs _section_cstart, $3  }
0xc8: {  	[dreg:$0x1] =	wrdreg $0xFFFFFFFF  }
0xc9: {  	_ =	task.clear_ibuf [dreg:s8], $0x2FFFF;
	_ =	strace $0x9FFFFFFF  }
0xca: {  	(tm) =	ssettm $0x7FFFFFFF  }
0xcb: {  	_ =	shalt  }
tec
execute0_lowered:
.L_overlay_start_1:
0x0: {  	(tag) =	ssettag $0x1  }
0x1: {  	s2 =	rddreg [dreg:$0x0]  }
0x2: {  	s8 =	rddreg [dreg:$0x1];
	s0 =	srdreg.scid  }
0x3: {  	s11 =	rddreg [dreg:$0x2];
	s10 =	sand.u32 $0x1, s0  }
0x4: {  	s3 =	rddreg [dreg:$0x3];
	s12 =	stileid.u32;
	s4 =	sshll.u32 s10, $0x4  }
0x5: {  	s1 =	simm.s32 $0x0;
	s0 =	rddreg [dreg:$0x4];
	s13 =	sor.u32 s12, s4  }
0x6: {  	[smem:$0x7FF] =	sst s1;
	s4 =	sshll.u32 s13, $0x5  }
0x7: {  	_ =	strace $0x80000047;
	s6 =	sadd.s32 s2, s4;
	s2 =	simm.s32 $0x2  }
0x8: {  	[tilespmem:s1], [sflag:$0x2] =	stream.linear.gather [hbm4b:s6+s1], $0x100, $0x38;
	[tilespmem:$0x4580] =	vst v63  }
0x9: {  	_ =	swait.ge [sflag:s2], $0x100  }
0xa: {  	s5 =	simm.s32 $0x80;
	[sflag:s2] =	ssyncset.done $0x0  }
0xb: {  	s7 =	sadd.s32 $0x800, s8;
	s4 =	simm.s32 $0x100;
	[sflag:s2] =	ssyncadd.s32 $0xFFFFFF00  }
0xc: {  	[tilespmem:s4], [sflag:$0x1] =	stream.indirect.gather [hbm4b:s7+s5], $0x40, s1, s5, $0xb8;
	[tilespmem:$0x4580] =	vst v63  }
0xd: {  	s9 =	simm.s32 $0x2100  }
0xe: {  	v0 =	vimm.f32 $0.0e+00;
	[tilespmem:s9], [sflag:$0x1] =	stream.indirect.gather [hbm4b:s7+s5], $0x40, s5, s5, $0xb8;
	[tilespmem:$0x4580] =	vst v63  }
0xf: {  	[tilespmem:$0x4370] =	vst v0  }
0x10: {  	[tilespmem:$0x4360] =	vst v0  }
0x11: {  	[tilespmem:$0x4350] =	vst v0  }
0x12: {  	[tilespmem:$0x4340] =	vst v0  }
0x13: {  	[tilespmem:$0x4330] =	vst v0  }
0x14: {  	[tilespmem:$0x4320] =	vst v0  }
0x15: {  	[tilespmem:$0x4310] =	vst v0  }
0x16: {  	[tilespmem:$0x4300] =	vst v0  }
0x17: {  	[tilespmem:$0x42F0] =	vst v0  }
0x18: {  	[tilespmem:$0x42E0] =	vst v0  }
0x19: {  	[tilespmem:$0x42D0] =	vst v0  }
0x1a: {  	[tilespmem:$0x42C0] =	vst v0  }
0x1b: {  	[tilespmem:$0x42B0] =	vst v0  }
0x1c: {  	[tilespmem:$0x42A0] =	vst v0  }
0x1d: {  	[tilespmem:$0x4290] =	vst v0  }
0x1e: {  	[tilespmem:$0x4280] =	vst v0  }
0x1f: {  	[tilespmem:$0x4270] =	vst v0  }
0x20: {  	s14 =	ssub.s32 $0x2, s10;
	[tilespmem:$0x4260] =	vst v0  }
0x21: {  	s15 =	sshrl.u32 s14, $0x1;
	[tilespmem:$0x4250] =	vst v0  }
0x22: {  	s14 =	ssub.s32 s14, s15;
	[tilespmem:$0x4240] =	vst v0  }
0x23: {  	s14 =	smax.u32 s14, $0x1;
	[tilespmem:$0x4230] =	vst v0  }
0x24: {  	s16 =	sadd.s32 $0xFFFFFFFF, s14;
	[tilespmem:$0x4220] =	vst v0  }
0x25: {  	p1 =	sne.s32 s16, $0x0;
	[tilespmem:$0x4210] =	vst v0  }
.Ltmp0:
0x26: {  	[tilespmem:$0x4200] =	vst v0;
	(pc) =	sbr.rel @!p1 .LBB2_2-.Ltmp0, $4  }
0x27: {  	s30 =	sshll.u32 s12, $0x9;
	p0 =	sne.s32 s12, $0x0;
	s13 =	sshll.u32 s13, $0xB;
	[tilespmem:$0x41F0] =	vst v0  }
0x28: {  	s31 =	sshll.u32 s10, $0xA;
	s12 =	simm.s32 $0x1;
	s8 =	sadd.s32 s13, s8;
	[tilespmem:$0x41E0] =	vst v0  }
0x29: {  	s15 =	simm.s32 $0x4180;
	s13 =	sadd.s32 s30, s3;
	s10 =	sadd.s32 $0x10800, s8;
	[tilespmem:$0x41D0] =	vst v0  }
0x2a: {  	v1 =	vimm.f32 $1.000000000e+00;
	s8 =	sadd.s32 s11, s31;
	s14 =	simm.s32 $0x4100;
	s11 =	sshrl.u32 @!p0 s3, $0x3;
	[tilespmem:$0x41C0] =	vst v0  }
.LBB2_1:
0x2b: {  	s16 =	sadd.s32 $0xFFFFFFFF, s16;
	[tilespmem:$0x41B0] =	vst v0  }
0x2c: {  	p1 =	sne.s32 s16, $0x0;
	[tilespmem:$0x41A0] =	vst v0  }
0x2d: {  	[tilespmem:$0x4190] =	vst v0  }
0x2e: {  	[tilespmem:$0x4180] =	vst v0  }
0x2f: {  	[tilespmem:$0x4170] =	vst v1  }
0x30: {  	[tilespmem:$0x4160] =	vst v1  }
0x31: {  	[tilespmem:$0x4150] =	vst v1  }
0x32: {  	[tilespmem:$0x4140] =	vst v1  }
0x33: {  	[tilespmem:$0x4130] =	vst v1  }
0x34: {  	[tilespmem:$0x4120] =	vst v1  }
0x35: {  	[tilespmem:$0x4100] =	vst v1  }
0x36: {  	[tilespmem:$0x4110] =	vst v1  }
0x37: {  	[spmem:s13] =	stream.linear.scatter [tilespmem:s15], [sflag:$0x2], $0x200, $0x38;
	[tilespmem:$0x4580] =	vst v63  }
0x38: {  	_ =	swait.ge [sflag:s2], $0x200  }
0x39: {  	[sflag:s2] =	ssyncset.done $0x0  }
0x3a: {  	[sflag:s2] =	ssyncadd.s32 $0xFFFFFE00  }
0x3b: {  	[bflag:$0x0] =	sbarrier.arrive $0xFFFF  }
0x3c: {  	[spmem:s3] =	stream.indirect.scatter.add.f32 [tilespmem:s14], [sflag:$0x2], $0x1, s1, s5, $0xb8;
	[tilespmem:$0x4580] =	vst v63  }
0x3d: {  	_ =	swait.ge [sflag:s2], $0x80  }
0x3e: {  	[sflag:s2] =	ssyncset.done $0x0  }
0x3f: {  	[sflag:s2] =	ssyncadd.s32 $0xFFFFFF80  }
0x40: {  	[spmem:s3] =	stream.indirect.scatter.add.f32 [tilespmem:s14], [sflag:$0x2], $0x1, s5, s5, $0xb8;
	[tilespmem:$0x4580] =	vst v63  }
0x41: {  	_ =	swait.ge [sflag:s2], $0x80  }
0x42: {  	[sflag:s2] =	ssyncset.done $0x0  }
0x43: {  	[sflag:s2] =	ssyncadd.s32 $0xFFFFFF80  }
0x44: {  	[bflag:$0x0] =	sbarrier.arrive $0xFFFF  }
0x45: {  	_ =	swait.ge [sflag:s12], $0x2000  }
0x46: {  	[sflag:s12] =	ssyncset.done $0x0  }
0x47: {  	[sflag:s12] =	ssyncadd.s32 $0xFFFFE000  }
0x48: {  	_ =	swait.ge [sflag:s12], $0x2000  }
0x49: {  	[sflag:s12] =	ssyncset.done $0x0  }
0x4a: {  	[sflag:s12] =	ssyncadd.s32 $0xFFFFE000  }
0x4b: {  	[hbm4b:s10+s1] =	stream.linear.scatter [tilespmem:s4], [sflag:$0x2], $0x4000, $0x38;
	[tilespmem:$0x4580] =	vst v63  }
0x4c: {  	_ =	swait.ge [sflag:s2], $0x4000  }
0x4d: {  	s17 =	simm.s32 @!p0 $0x1C02;
	[sflag:s2] =	ssyncset.done $0x0  }
0x4e: {  	s18 =	simm.s32 @!p0 $0x2;
	[sflag:s2] =	ssyncadd.s32 $0xFFFFC000  }
0x4f: {  	[hbm:s8], [sflag:s17] =	dma.local @!p0 [spmem:s11], $0x400  }
0x50: {  	_ =	swait.ge @!p0 [sflag:s18], $0x400  }
0x51: {  	[sflag:s18] =	ssyncset.done @!p0 $0x0  }
0x52: {  	[sflag:s18] =	ssyncadd.s32 @!p0 $0xFFFFFC00  }
0x53: {  	[tilespmem:s1], [sflag:$0x2] =	stream.linear.gather [hbm4b:s6+s1], $0x100, $0x38;
	[tilespmem:$0x4580] =	vst v63  }
0x54: {  	_ =	swait.ge [sflag:s2], $0x100  }
0x55: {  	[sflag:s2] =	ssyncset.done $0x0  }
0x56: {  	[sflag:s2] =	ssyncadd.s32 $0xFFFFFF00  }
0x57: {  	[tilespmem:s4], [sflag:$0x1] =	stream.indirect.gather [hbm4b:s7+s5], $0x40, s1, s5, $0xb8;
	[tilespmem:$0x4580] =	vst v63  }
0x58: {  	_ = 	snop  }
0x59: {  	[tilespmem:s9], [sflag:$0x1] =	stream.indirect.gather [hbm4b:s7+s5], $0x40, s5, s5, $0xb8;
	[tilespmem:$0x4580] =	vst v63  }
0x5a: {  	[tilespmem:$0x4370] =	vst v0  }
0x5b: {  	[tilespmem:$0x4360] =	vst v0  }
0x5c: {  	[tilespmem:$0x4350] =	vst v0  }
0x5d: {  	[tilespmem:$0x4340] =	vst v0  }
0x5e: {  	[tilespmem:$0x4330] =	vst v0  }
0x5f: {  	[tilespmem:$0x4320] =	vst v0  }
0x60: {  	[tilespmem:$0x4310] =	vst v0  }
0x61: {  	[tilespmem:$0x4300] =	vst v0  }
0x62: {  	[tilespmem:$0x42F0] =	vst v0  }
0x63: {  	[tilespmem:$0x42E0] =	vst v0  }
0x64: {  	[tilespmem:$0x42D0] =	vst v0  }
0x65: {  	[tilespmem:$0x42C0] =	vst v0  }
0x66: {  	[tilespmem:$0x42B0] =	vst v0  }
0x67: {  	[tilespmem:$0x42A0] =	vst v0  }
0x68: {  	[tilespmem:$0x4290] =	vst v0  }
0x69: {  	[tilespmem:$0x4280] =	vst v0  }
0x6a: {  	[tilespmem:$0x4270] =	vst v0  }
0x6b: {  	[tilespmem:$0x4260] =	vst v0  }
0x6c: {  	[tilespmem:$0x4250] =	vst v0  }
0x6d: {  	[tilespmem:$0x4240] =	vst v0  }
0x6e: {  	[tilespmem:$0x4230] =	vst v0  }
0x6f: {  	[tilespmem:$0x4220] =	vst v0  }
0x70: {  	[tilespmem:$0x4210] =	vst v0  }
.Ltmp1:
0x71: {  	[tilespmem:$0x4200] =	vst v0;
	(pc) =	sbr.rel @p1 .LBB2_1-.Ltmp1, $4  }
0x72: {  	[tilespmem:$0x41F0] =	vst v0  }
0x73: {  	[tilespmem:$0x41E0] =	vst v0  }
0x74: {  	[tilespmem:$0x41D0] =	vst v0  }
0x75: {  	[tilespmem:$0x41C0] =	vst v0  }
.LBB2_2:
0x76: {  	[tilespmem:$0x41B0] =	vst v0  }
0x77: {  	[tilespmem:$0x41A0] =	vst v0  }
0x78: {  	[tilespmem:$0x4190] =	vst v0  }
0x79: {  	[tilespmem:$0x4180] =	vst v0  }
0x7a: {  	[tilespmem:$0x4170] =	vst v1  }
0x7b: {  	[tilespmem:$0x4160] =	vst v1  }
0x7c: {  	[tilespmem:$0x4150] =	vst v1  }
0x7d: {  	[tilespmem:$0x4140] =	vst v1  }
0x7e: {  	[tilespmem:$0x4130] =	vst v1  }
0x7f: {  	[tilespmem:$0x4120] =	vst v1  }
0x80: {  	[tilespmem:$0x4100] =	vst v1  }
0x81: {  	[tilespmem:$0x4110] =	vst v1  }
0x82: {  	[spmem:s13] =	stream.linear.scatter [tilespmem:s15], [sflag:$0x2], $0x200, $0x38;
	[tilespmem:$0x4580] =	vst v63  }
0x83: {  	_ =	swait.ge [sflag:s2], $0x200  }
0x84: {  	[sflag:s2] =	ssyncset.done $0x0  }
0x85: {  	[sflag:s2] =	ssyncadd.s32 $0xFFFFFE00  }
0x86: {  	[bflag:$0x0] =	sbarrier.arrive $0xFFFF  }
0x87: {  	[spmem:s3] =	stream.indirect.scatter.add.f32 [tilespmem:s14], [sflag:$0x2], $0x1, s1, s5, $0xb8;
	[tilespmem:$0x4580] =	vst v63  }
0x88: {  	_ =	swait.ge [sflag:s2], $0x80  }
0x89: {  	[sflag:s2] =	ssyncset.done $0x0  }
0x8a: {  	[sflag:s2] =	ssyncadd.s32 $0xFFFFFF80  }
0x8b: {  	[spmem:s3] =	stream.indirect.scatter.add.f32 [tilespmem:s14], [sflag:$0x2], $0x1, s5, s5, $0xb8;
	[tilespmem:$0x4580] =	vst v63  }
0x8c: {  	_ =	swait.ge [sflag:s2], $0x80  }
0x8d: {  	[sflag:s2] =	ssyncset.done $0x0  }
0x8e: {  	[sflag:s2] =	ssyncadd.s32 $0xFFFFFF80  }
0x8f: {  	[bflag:$0x0] =	sbarrier.arrive $0xFFFF  }
0x90: {  	_ =	swait.ge [sflag:s12], $0x2000  }
0x91: {  	[sflag:s12] =	ssyncset.done $0x0  }
0x92: {  	[sflag:s12] =	ssyncadd.s32 $0xFFFFE000  }
0x93: {  	_ =	swait.ge [sflag:s12], $0x2000  }
0x94: {  	[sflag:s12] =	ssyncset.done $0x0  }
0x95: {  	[sflag:s12] =	ssyncadd.s32 $0xFFFFE000  }
0x96: {  	[hbm4b:s10+s1] =	stream.linear.scatter [tilespmem:s4], [sflag:$0x2], $0x4000, $0x38;
	[tilespmem:$0x4580] =	vst v63  }
0x97: {  	_ =	swait.ge [sflag:s2], $0x4000  }
0x98: {  	[sflag:s2] =	ssyncset.done $0x0  }
0x99: {  	s1 =	simm.s32 @!p0 $0x1C02;
	[sflag:s2] =	ssyncadd.s32 $0xFFFFC000;
	s2 =	simm.s32 @!p0 $0x2  }
0x9a: {  	[hbm:s8], [sflag:s1] =	dma.local @!p0 [spmem:s11], $0x400  }
0x9b: {  	_ =	swait.ge @!p0 [sflag:s2], $0x400  }
0x9c: {  	[sflag:s2] =	ssyncset.done @!p0 $0x0  }
0x9d: {  	[sflag:s2] =	ssyncadd.s32 @!p0 $0xFFFFFC00  }
0x9e: {  	_ =	sfence.sel $0x180000  }
0x9f: {  	[bflag:$0x0] =	sbarrier.arrive $0xFFFF  }
0xa0: {  	_ =	strace $0x90000047  }
0xa1: {  	s0 =	sadd.s32 @!p0 $0x100000, s0;
	[bflag:$0x2] =	sbarrier.arrive $0xFFFF  }
0xa2: {  	[sflag:s0] =	ssyncadd.tile.s32 @!p0 $0x1;
	_ =	shalt  }
.Lfunc_end2:
_tile_overlayer_lowered:
.L_overlay_start_2:
0xa3: {  	(tag) =	ssettag $0x2  }
0xa4: {  	s0 =	rddreg [dreg:$0x0];
	s2 =	stileid.u32  }
0xa5: {  	s1 =	rddreg [dreg:$0x1];
	p0 =	sne.s32 s2, $0x0  }
0xa6: {  	s3 =	rddreg [dreg:$0x2];
	[bflag:$0x3] =	sbarrier.arrive $0xFFFF;
	s2 =	simm.s32 @!p0 $0x1C02  }
0xa7: {  	[timem:s3], [sflag:s2] =	dma.local @!p0 [hbm:s0], s1  }
0xa8: {  	s0 =	simm.s32 @!p0 $0x2  }
0xa9: {  	_ =	swait.ge @!p0 [sflag:s0], s1  }
0xaa: {  	s1 =	ssub.s32 @!p0 $0x0, s1;
	[sflag:s0] =	ssyncset.done @!p0 $0x0  }
0xab: {  	[sflag:s0] =	ssyncadd.s32 @!p0 s1  }
0xac: {  	[bflag:$0x3] =	sbarrier.arrive $0xFFFF  }
0xad: {  	_ =	shalt  }

</sc_bundles>
